<compile_context>
chip_gen: v7x
topology: tpu7x:2x2x1
jax: 0.10.2.dev20260603
libtpu: 0.0.44.dev20260713+nightly
codegen_flags: <defaults>
</compile_context>

<pallas_src>
import functools

import jax
import jax.numpy as jnp
from jax import lax
from jax.experimental import pallas as pl
from jax.experimental.pallas import tpu as pltpu
from jax.experimental.pallas import tpu_sc as plsc

EMB = 64
BATCH = 4096
OUT = 128
VOCAB = 100000
NC, NS = 2, 16
NW = NC * NS
BPW = BATCH // NW
L = 16

_BV = 4096
_NB = 13
HALF = _NB * _BV


def _proj_body(tal, tah, tbl, tbh, tcl, tch, tdl, tdh, w_ref,
               pa, pb, pc, pd):
    dn = (((0,), (0,)), ((), ()))
    ins = ((tal, tah, pa), (tbl, tbh, pb), (tcl, tch, pc), (tdl, tdh, pd))
    for t, (tlo, thi, pout) in enumerate(ins):
        wt = w_ref[pl.ds(t * EMB, EMB), :].astype(jnp.bfloat16)
        lo = lax.dot_general(tlo[...].astype(jnp.bfloat16), wt, dn,
                             preferred_element_type=jnp.float32)
        hi = lax.dot_general(thi[...].astype(jnp.bfloat16), wt, dn,
                             preferred_element_type=jnp.float32)
        lo16 = lax.bitcast_convert_type(lo.astype(jnp.bfloat16), jnp.uint16)
        hi16 = lax.bitcast_convert_type(hi.astype(jnp.bfloat16), jnp.uint16)
        word = (lax.shift_left(hi16.astype(jnp.uint32), jnp.uint32(16))
                | lo16.astype(jnp.uint32))
        pout[...] = lax.bitcast_convert_type(word, jnp.int32)


def _tc_project(Tts, W):
    lo_spec = pl.BlockSpec((EMB, _BV), lambda i: (0, i))
    hi_spec = pl.BlockSpec((EMB, _BV),
                           lambda i: (0, jnp.minimum(i + _NB, (VOCAB - 1) // _BV)))
    p_spec = pl.BlockSpec((_BV, OUT), lambda i: (i, 0))
    in_specs = []
    for _ in range(4):
        in_specs += [lo_spec, hi_spec]
    return pl.pallas_call(
        _proj_body,
        grid=(_NB,),
        in_specs=in_specs + [pl.BlockSpec((4 * EMB, OUT), lambda i: (0, 0))],
        out_specs=[p_spec] * 4,
        out_shape=[jax.ShapeDtypeStruct((HALF, OUT), jnp.int32)] * 4,
    )(*[T for T in Tts for _ in range(2)], W)


_sc_mesh = plsc.VectorSubcoreMesh(core_axis_name="c", subcore_axis_name="s")


@functools.partial(
    pl.kernel,
    out_type=tuple(
        jax.ShapeDtypeStruct((BATCH, OUT), jnp.int32) for _ in range(4)
    ),
    mesh=_sc_mesh,
    scratch_types=[
        pltpu.VMEM((BPW,), jnp.int32),
        [pltpu.VMEM((BPW,), jnp.int32) for _ in range(4)],
        [pltpu.VMEM((BPW, OUT), jnp.int32) for _ in range(4)],
        pltpu.SemaphoreType.DMA,
    ],
)
def _sc_gather4(xa, xb, xc, xd, Pa, Pb, Pc, Pd, ga, gb, gc, gd,
                idx_v, j_vs, rows_vs, sem):
    wid = lax.axis_index("s") * NC + lax.axis_index("c")
    base = wid * BPW
    tabs = ((xa, Pa, ga), (xb, Pb, gb), (xc, Pc, gc), (xd, Pd, gd))
    for t, (x, P, g) in enumerate(tabs):
        pltpu.sync_copy(x.at[pl.ds(base, BPW)], idx_v)
        for i in range(BPW // L):
            xv = idx_v[pl.ds(i * L, L)]
            j_vs[t][pl.ds(i * L, L)] = jnp.where(xv >= HALF, xv - HALF, xv)
        pltpu.async_copy(P.at[j_vs[t]], rows_vs[t], sem)
    for t, (x, P, g) in enumerate(tabs):
        pltpu.make_async_copy(P.at[j_vs[t]], rows_vs[t], sem).wait()
        pltpu.sync_copy(rows_vs[t], g.at[pl.ds(base, BPW)])


_BM = 1024


def _sum_body(ga, gb, gc, gd, xa, xb, xc, xd, b_ref, out_ref):
    acc = b_ref[...] + jnp.zeros((_BM, OUT), jnp.float32)
    for g, x in ((ga, xa), (gb, xb), (gc, xc), (gd, xd)):
        is_lo = x[...] < HALF
        u = lax.bitcast_convert_type(g[...], jnp.uint32)
        half = jnp.where(is_lo, u & jnp.uint32(0xFFFF),
                         lax.shift_right_logical(u, jnp.uint32(16)))
        val = lax.bitcast_convert_type(
            half.astype(jnp.uint16), jnp.bfloat16).astype(jnp.float32)
        acc = acc + val
    out_ref[...] = acc


def _tc_sum(gs, xs2d, b2d):
    g_spec = pl.BlockSpec((_BM, OUT), lambda i: (i, 0))
    x_spec = pl.BlockSpec((_BM, 1), lambda i: (i, 0))
    return pl.pallas_call(
        _sum_body,
        grid=(BATCH // _BM,),
        in_specs=[g_spec] * 4 + [x_spec] * 4
        + [pl.BlockSpec((1, OUT), lambda i: (0, 0))],
        out_specs=g_spec,
        out_shape=jax.ShapeDtypeStruct((BATCH, OUT), jnp.float32),
    )(*gs, *xs2d, b2d)


def kernel(x_a, x_b, x_c, x_d, T_a, T_b, T_c, T_d, W, b):
    xs = [x.astype(jnp.int32) for x in (x_a, x_b, x_c, x_d)]
    Ps = _tc_project([T.T for T in (T_a, T_b, T_c, T_d)], W)
    gs = _sc_gather4(*xs, *Ps)
    xs2d = [x.reshape(BATCH, 1) for x in xs]
    return _tc_sum(gs, xs2d, b.reshape(1, OUT))

# --- scband reference (transcript-rebuilt; emitter-appended) ---
"""Pipeline reference for scband-multi-head-action-embedding-fusion-80728205296044 (READ-ONLY COPY).

The authoritative reference and input builder live on the scoring server;
editing this copy changes nothing except your own understanding.
"""

import jax, jax.numpy as jnp
import numpy as np

VOCAB = 100000
EMB = 64
BATCH = 4096
OUT = 128

def setup_inputs(seed: int = 0) -> dict:
    key = jax.random.key(seed)
    ks = jax.random.split(key, 11)
    x_a = jax.random.randint(ks[0], (BATCH,), 0, VOCAB, dtype=jnp.int64 if jax.config.jax_enable_x64 else jnp.int32)
    x_b = jax.random.randint(ks[1], (BATCH,), 0, VOCAB, dtype=jnp.int64 if jax.config.jax_enable_x64 else jnp.int32)
    x_c = jax.random.randint(ks[2], (BATCH,), 0, VOCAB, dtype=jnp.int64 if jax.config.jax_enable_x64 else jnp.int32)
    x_d = jax.random.randint(ks[3], (BATCH,), 0, VOCAB, dtype=jnp.int64 if jax.config.jax_enable_x64 else jnp.int32)
    T_a = jax.random.normal(ks[4], (VOCAB, EMB), dtype=jnp.float32)
    T_b = jax.random.normal(ks[5], (VOCAB, EMB), dtype=jnp.float32)
    T_c = jax.random.normal(ks[6], (VOCAB, EMB), dtype=jnp.float32)
    T_d = jax.random.normal(ks[7], (VOCAB, EMB), dtype=jnp.float32)
    fused = 4 * EMB
    W = jax.random.normal(ks[8], (fused, OUT), dtype=jnp.float32) * (1.0 / np.sqrt(fused))
    b = jax.random.normal(ks[9], (OUT,), dtype=jnp.float32) * 0.01
    return {"x_a": x_a, "x_b": x_b, "x_c": x_c, "x_d": x_d,
            "T_a": T_a, "T_b": T_b, "T_c": T_c, "T_d": T_d,
            "W": W, "b": b}

def reference(x_a, x_b, x_c, x_d, T_a, T_b, T_c, T_d, W, b):
    # Embedding lookups for each field (sorted key order: field_a, field_b, field_c, field_d)
    e_a = jnp.take(T_a, x_a, axis=0)
    e_b = jnp.take(T_b, x_b, axis=0)
    e_c = jnp.take(T_c, x_c, axis=0)
    e_d = jnp.take(T_d, x_d, axis=0)
    fused = jnp.concatenate([e_a, e_b, e_c, e_d], axis=-1)
    # post layer: Linear(256 -> 128) since output_dim != sum of embed dims
    return fused @ W + b

if __name__ == "__main__":
    import jax
    _d = setup_inputs()
    print(jax.jit(kernel)(*tuple(_d.values())))

</pallas_src>

<mosaic_0001>
#map = affine_map<(d0, d1) -> (0)>
#map1 = affine_map<(d0, d1) -> (0, 0)>
module attributes {stable_mosaic.version = 14 : i64} {
  func.func @_sc_gather4(%arg0: i32, %arg1: i32, %arg2: memref<4096xi32, #tpu.memory_space<hbm>>, %arg3: memref<4096xi32, #tpu.memory_space<hbm>>, %arg4: memref<4096xi32, #tpu.memory_space<hbm>>, %arg5: memref<4096xi32, #tpu.memory_space<hbm>>, %arg6: memref<53248x128xi32, #tpu.memory_space<hbm>>, %arg7: memref<53248x128xi32, #tpu.memory_space<hbm>>, %arg8: memref<53248x128xi32, #tpu.memory_space<hbm>>, %arg9: memref<53248x128xi32, #tpu.memory_space<hbm>>, %arg10: memref<4096x128xi32, #tpu.memory_space<hbm>>, %arg11: memref<4096x128xi32, #tpu.memory_space<hbm>>, %arg12: memref<4096x128xi32, #tpu.memory_space<hbm>>, %arg13: memref<4096x128xi32, #tpu.memory_space<hbm>>, %arg14: memref<128xi32, #tpu.memory_space<vmem>>, %arg15: memref<128xi32, #tpu.memory_space<vmem>>, %arg16: memref<128xi32, #tpu.memory_space<vmem>>, %arg17: memref<128xi32, #tpu.memory_space<vmem>>, %arg18: memref<128xi32, #tpu.memory_space<vmem>>, %arg19: memref<128x128xi32, #tpu.memory_space<vmem>>, %arg20: memref<128x128xi32, #tpu.memory_space<vmem>>, %arg21: memref<128x128xi32, #tpu.memory_space<vmem>>, %arg22: memref<128x128xi32, #tpu.memory_space<vmem>>, %arg23: memref<!tpu.dma_semaphore, #tpu.memory_space<semaphore_mem>>) attributes {dimension_semantics = [#tpu.dimension_semantics<core_parallel>, #tpu.dimension_semantics<subcore_parallel>], iteration_bounds = array<i64: 2, 16>, scalar_prefetch = 0 : i64, scratch_operands = 10 : i64, tpu.core_type = #tpu.core_type<sc_vector_subcore>, window_params = [{transform_indices = #map}, {transform_indices = #map}, {transform_indices = #map}, {transform_indices = #map}, {transform_indices = #map1}, {transform_indices = #map1}, {transform_indices = #map1}, {transform_indices = #map1}, {transform_indices = #map1}, {transform_indices = #map1}, {transform_indices = #map1}, {transform_indices = #map1}]} {
    %mul3A = arith.constant 2 : i32
    %mul3A_0 = arith.muli %arg1, %mul3A : i32
    %add3A = arith.addi %mul3A_0, %arg0 : i32
    %mul3A_1 = arith.constant 128 : i32
    %mul3A_2 = arith.muli %add3A, %mul3A_1 : i32
    "tpu.region"() ({
      %run_scoped3A = tpu.sem_alloc : memref<!tpu.dma_semaphore, #tpu.memory_space<semaphore_mem>>
      %dma_start3A_468 = tpu.memref_slice %arg2[%mul3A_2] : memref<4096xi32, #tpu.memory_space<hbm>> -> memref<128xi32, #tpu.memory_space<hbm>>
      %dma_start3A_469 = tpu.memref_slice %arg2[%mul3A_2] : memref<4096xi32, #tpu.memory_space<hbm>> -> memref<128xi32, #tpu.memory_space<hbm>>
      tpu.enqueue_dma source(%dma_start3A_469 : memref<128xi32, #tpu.memory_space<hbm>>) target(%arg14 : memref<128xi32, #tpu.memory_space<vmem>>) target_semaphore(%run_scoped3A : memref<!tpu.dma_semaphore, #tpu.memory_space<semaphore_mem>>)
      %dma_wait3A_470 = tpu.memref_slice %arg2[%mul3A_2] : memref<4096xi32, #tpu.memory_space<hbm>> -> memref<128xi32, #tpu.memory_space<hbm>>
      %dma_wait3A_471 = tpu.memref_slice %arg2[%mul3A_2] : memref<4096xi32, #tpu.memory_space<hbm>> -> memref<128xi32, #tpu.memory_space<hbm>>
      tpu.wait_dma2 semaphore(%run_scoped3A : memref<!tpu.dma_semaphore, #tpu.memory_space<semaphore_mem>>) src(%dma_wait3A_471 : memref<128xi32, #tpu.memory_space<hbm>>) dst(%arg14 : memref<128xi32, #tpu.memory_space<vmem>>)
      tpu.yield
    }) : () -> ()
    %get3A = arith.constant 0 : index
    %get3A_3 = tpu.vector_load %arg14[%get3A] {strides = array<i32>} : memref<128xi32, #tpu.memory_space<vmem>>, vector<16xi32>,
    %get3A_4 = vector.shape_cast %get3A_3 : vector<16xi32> to vector<16xi32>
    %ge3A = arith.constant 53248 : i32
    %ge3A_5 = vector.broadcast %ge3A : i32 to vector<16xi32>
    %ge3A_6 = arith.cmpi sge, %get3A_4, %ge3A_5 : vector<16xi32>
    %sub3A = arith.constant 53248 : i32
    %sub3A_7 = vector.broadcast %sub3A : i32 to vector<16xi32>
    %sub3A_8 = arith.subi %get3A_4, %sub3A_7 : vector<16xi32>
    %select_n3A = arith.select %ge3A_6, %sub3A_8, %get3A_4 : vector<16xi1>, vector<16xi32>
    %swap3A = arith.constant 0 : index
    %swap3A_9 = tpu.vector_load %arg15[%swap3A] {strides = array<i32>} : memref<128xi32, #tpu.memory_space<vmem>>, vector<16xi32>,
    %swap3A_10 = vector.shape_cast %swap3A_9 : vector<16xi32> to vector<16xi32>
    %swap3A_11 = vector.shape_cast %select_n3A : vector<16xi32> to vector<16xi32>
    tpu.vector_store %arg15[%swap3A], %swap3A_11 {strides = array<i32>} : memref<128xi32, #tpu.memory_space<vmem>>, vector<16xi32>,
    %get3A_12 = arith.constant 16 : index
    %get3A_13 = tpu.vector_load %arg14[%get3A_12] {strides = array<i32>} : memref<128xi32, #tpu.memory_space<vmem>>, vector<16xi32>,
    %get3A_14 = vector.shape_cast %get3A_13 : vector<16xi32> to vector<16xi32>
    %ge3A_15 = arith.constant 53248 : i32
    %ge3A_16 = vector.broadcast %ge3A_15 : i32 to vector<16xi32>
    %ge3A_17 = arith.cmpi sge, %get3A_14, %ge3A_16 : vector<16xi32>
    %sub3A_18 = arith.constant 53248 : i32
    %sub3A_19 = vector.broadcast %sub3A_18 : i32 to vector<16xi32>
    %sub3A_20 = arith.subi %get3A_14, %sub3A_19 : vector<16xi32>
    %select_n3A_21 = arith.select %ge3A_17, %sub3A_20, %get3A_14 : vector<16xi1>, vector<16xi32>
    %swap3A_22 = arith.constant 16 : index
    %swap3A_23 = tpu.vector_load %arg15[%swap3A_22] {strides = array<i32>} : memref<128xi32, #tpu.memory_space<vmem>>, vector<16xi32>,
    %swap3A_24 = vector.shape_cast %swap3A_23 : vector<16xi32> to vector<16xi32>
    %swap3A_25 = vector.shape_cast %select_n3A_21 : vector<16xi32> to vector<16xi32>
    tpu.vector_store %arg15[%swap3A_22], %swap3A_25 {strides = array<i32>} : memref<128xi32, #tpu.memory_space<vmem>>, vector<16xi32>,
    %get3A_26 = arith.constant 32 : index
    %get3A_27 = tpu.vector_load %arg14[%get3A_26] {strides = array<i32>} : memref<128xi32, #tpu.memory_space<vmem>>, vector<16xi32>,
    %get3A_28 = vector.shape_cast %get3A_27 : vector<16xi32> to vector<16xi32>
    %ge3A_29 = arith.constant 53248 : i32
    %ge3A_30 = vector.broadcast %ge3A_29 : i32 to vector<16xi32>
    %ge3A_31 = arith.cmpi sge, %get3A_28, %ge3A_30 : vector<16xi32>
    %sub3A_32 = arith.constant 53248 : i32
    %sub3A_33 = vector.broadcast %sub3A_32 : i32 to vector<16xi32>
    %sub3A_34 = arith.subi %get3A_28, %sub3A_33 : vector<16xi32>
    %select_n3A_35 = arith.select %ge3A_31, %sub3A_34, %get3A_28 : vector<16xi1>, vector<16xi32>
    %swap3A_36 = arith.constant 32 : index
    %swap3A_37 = tpu.vector_load %arg15[%swap3A_36] {strides = array<i32>} : memref<128xi32, #tpu.memory_space<vmem>>, vector<16xi32>,
    %swap3A_38 = vector.shape_cast %swap3A_37 : vector<16xi32> to vector<16xi32>
    %swap3A_39 = vector.shape_cast %select_n3A_35 : vector<16xi32> to vector<16xi32>
    tpu.vector_store %arg15[%swap3A_36], %swap3A_39 {strides = array<i32>} : memref<128xi32, #tpu.memory_space<vmem>>, vector<16xi32>,
    %get3A_40 = arith.constant 48 : index
    %get3A_41 = tpu.vector_load %arg14[%get3A_40] {strides = array<i32>} : memref<128xi32, #tpu.memory_space<vmem>>, vector<16xi32>,
    %get3A_42 = vector.shape_cast %get3A_41 : vector<16xi32> to vector<16xi32>
    %ge3A_43 = arith.constant 53248 : i32
    %ge3A_44 = vector.broadcast %ge3A_43 : i32 to vector<16xi32>
    %ge3A_45 = arith.cmpi sge, %get3A_42, %ge3A_44 : vector<16xi32>
    %sub3A_46 = arith.constant 53248 : i32
    %sub3A_47 = vector.broadcast %sub3A_46 : i32 to vector<16xi32>
    %sub3A_48 = arith.subi %get3A_42, %sub3A_47 : vector<16xi32>
    %select_n3A_49 = arith.select %ge3A_45, %sub3A_48, %get3A_42 : vector<16xi1>, vector<16xi32>
    %swap3A_50 = arith.constant 48 : index
    %swap3A_51 = tpu.vector_load %arg15[%swap3A_50] {strides = array<i32>} : memref<128xi32, #tpu.memory_space<vmem>>, vector<16xi32>,
    %swap3A_52 = vector.shape_cast %swap3A_51 : vector<16xi32> to vector<16xi32>
    %swap3A_53 = vector.shape_cast %select_n3A_49 : vector<16xi32> to vector<16xi32>
    tpu.vector_store %arg15[%swap3A_50], %swap3A_53 {strides = array<i32>} : memref<128xi32, #tpu.memory_space<vmem>>, vector<16xi32>,
    %get3A_54 = arith.constant 64 : index
    %get3A_55 = tpu.vector_load %arg14[%get3A_54] {strides = array<i32>} : memref<128xi32, #tpu.memory_space<vmem>>, vector<16xi32>,
    %get3A_56 = vector.shape_cast %get3A_55 : vector<16xi32> to vector<16xi32>
    %ge3A_57 = arith.constant 53248 : i32
    %ge3A_58 = vector.broadcast %ge3A_57 : i32 to vector<16xi32>
    %ge3A_59 = arith.cmpi sge, %get3A_56, %ge3A_58 : vector<16xi32>
    %sub3A_60 = arith.constant 53248 : i32
    %sub3A_61 = vector.broadcast %sub3A_60 : i32 to vector<16xi32>
    %sub3A_62 = arith.subi %get3A_56, %sub3A_61 : vector<16xi32>
    %select_n3A_63 = arith.select %ge3A_59, %sub3A_62, %get3A_56 : vector<16xi1>, vector<16xi32>
    %swap3A_64 = arith.constant 64 : index
    %swap3A_65 = tpu.vector_load %arg15[%swap3A_64] {strides = array<i32>} : memref<128xi32, #tpu.memory_space<vmem>>, vector<16xi32>,
    %swap3A_66 = vector.shape_cast %swap3A_65 : vector<16xi32> to vector<16xi32>
    %swap3A_67 = vector.shape_cast %select_n3A_63 : vector<16xi32> to vector<16xi32>
    tpu.vector_store %arg15[%swap3A_64], %swap3A_67 {strides = array<i32>} : memref<128xi32, #tpu.memory_space<vmem>>, vector<16xi32>,
    %get3A_68 = arith.constant 80 : index
    %get3A_69 = tpu.vector_load %arg14[%get3A_68] {strides = array<i32>} : memref<128xi32, #tpu.memory_space<vmem>>, vector<16xi32>,
    %get3A_70 = vector.shape_cast %get3A_69 : vector<16xi32> to vector<16xi32>
    %ge3A_71 = arith.constant 53248 : i32
    %ge3A_72 = vector.broadcast %ge3A_71 : i32 to vector<16xi32>
    %ge3A_73 = arith.cmpi sge, %get3A_70, %ge3A_72 : vector<16xi32>
    %sub3A_74 = arith.constant 53248 : i32
    %sub3A_75 = vector.broadcast %sub3A_74 : i32 to vector<16xi32>
    %sub3A_76 = arith.subi %get3A_70, %sub3A_75 : vector<16xi32>
    %select_n3A_77 = arith.select %ge3A_73, %sub3A_76, %get3A_70 : vector<16xi1>, vector<16xi32>
    %swap3A_78 = arith.constant 80 : index
    %swap3A_79 = tpu.vector_load %arg15[%swap3A_78] {strides = array<i32>} : memref<128xi32, #tpu.memory_space<vmem>>, vector<16xi32>,
    %swap3A_80 = vector.shape_cast %swap3A_79 : vector<16xi32> to vector<16xi32>
    %swap3A_81 = vector.shape_cast %select_n3A_77 : vector<16xi32> to vector<16xi32>
    tpu.vector_store %arg15[%swap3A_78], %swap3A_81 {strides = array<i32>} : memref<128xi32, #tpu.memory_space<vmem>>, vector<16xi32>,
    %get3A_82 = arith.constant 96 : index
    %get3A_83 = tpu.vector_load %arg14[%get3A_82] {strides = array<i32>} : memref<128xi32, #tpu.memory_space<vmem>>, vector<16xi32>,
    %get3A_84 = vector.shape_cast %get3A_83 : vector<16xi32> to vector<16xi32>
    %ge3A_85 = arith.constant 53248 : i32
    %ge3A_86 = vector.broadcast %ge3A_85 : i32 to vector<16xi32>
    %ge3A_87 = arith.cmpi sge, %get3A_84, %ge3A_86 : vector<16xi32>
    %sub3A_88 = arith.constant 53248 : i32
    %sub3A_89 = vector.broadcast %sub3A_88 : i32 to vector<16xi32>
    %sub3A_90 = arith.subi %get3A_84, %sub3A_89 : vector<16xi32>
    %select_n3A_91 = arith.select %ge3A_87, %sub3A_90, %get3A_84 : vector<16xi1>, vector<16xi32>
    %swap3A_92 = arith.constant 96 : index
    %swap3A_93 = tpu.vector_load %arg15[%swap3A_92] {strides = array<i32>} : memref<128xi32, #tpu.memory_space<vmem>>, vector<16xi32>,
    %swap3A_94 = vector.shape_cast %swap3A_93 : vector<16xi32> to vector<16xi32>
    %swap3A_95 = vector.shape_cast %select_n3A_91 : vector<16xi32> to vector<16xi32>
    tpu.vector_store %arg15[%swap3A_92], %swap3A_95 {strides = array<i32>} : memref<128xi32, #tpu.memory_space<vmem>>, vector<16xi32>,
    %get3A_96 = arith.constant 112 : index
    %get3A_97 = tpu.vector_load %arg14[%get3A_96] {strides = array<i32>} : memref<128xi32, #tpu.memory_space<vmem>>, vector<16xi32>,
    %get3A_98 = vector.shape_cast %get3A_97 : vector<16xi32> to vector<16xi32>
    %ge3A_99 = arith.constant 53248 : i32
    %ge3A_100 = vector.broadcast %ge3A_99 : i32 to vector<16xi32>
    %ge3A_101 = arith.cmpi sge, %get3A_98, %ge3A_100 : vector<16xi32>
    %sub3A_102 = arith.constant 53248 : i32
    %sub3A_103 = vector.broadcast %sub3A_102 : i32 to vector<16xi32>
    %sub3A_104 = arith.subi %get3A_98, %sub3A_103 : vector<16xi32>
    %select_n3A_105 = arith.select %ge3A_101, %sub3A_104, %get3A_98 : vector<16xi1>, vector<16xi32>
    %swap3A_106 = arith.constant 112 : index
    %swap3A_107 = tpu.vector_load %arg15[%swap3A_106] {strides = array<i32>} : memref<128xi32, #tpu.memory_space<vmem>>, vector<16xi32>,
    %swap3A_108 = vector.shape_cast %swap3A_107 : vector<16xi32> to vector<16xi32>
    %swap3A_109 = vector.shape_cast %select_n3A_105 : vector<16xi32> to vector<16xi32>
    tpu.vector_store %arg15[%swap3A_106], %swap3A_109 {strides = array<i32>} : memref<128xi32, #tpu.memory_space<vmem>>, vector<16xi32>,
    %dma_start3A = arith.constant 0 : i32
    %dma_start3A_110 = arith.constant 0 : i32
    %dma_start3A_111 = tpu.memref_slice %arg6[%dma_start3A, %dma_start3A_110] : memref<53248x128xi32, #tpu.memory_space<hbm>> -> memref<53248x128xi32, #tpu.memory_space<hbm>>
    tpu.enqueue_indirect_dma source(%dma_start3A_111 : memref<53248x128xi32, #tpu.memory_space<hbm>>) target(%arg19 : memref<128x128xi32, #tpu.memory_space<vmem>>) offsets(%arg15 : memref<128xi32, #tpu.memory_space<vmem>>) semaphore(%arg23 : memref<!tpu.dma_semaphore, #tpu.memory_space<semaphore_mem>>)
    "tpu.region"() ({
      %run_scoped3A = tpu.sem_alloc : memref<!tpu.dma_semaphore, #tpu.memory_space<semaphore_mem>>
      %dma_start3A_468 = tpu.memref_slice %arg3[%mul3A_2] : memref<4096xi32, #tpu.memory_space<hbm>> -> memref<128xi32, #tpu.memory_space<hbm>>
      %dma_start3A_469 = tpu.memref_slice %arg3[%mul3A_2] : memref<4096xi32, #tpu.memory_space<hbm>> -> memref<128xi32, #tpu.memory_space<hbm>>
      tpu.enqueue_dma source(%dma_start3A_469 : memref<128xi32, #tpu.memory_space<hbm>>) target(%arg14 : memref<128xi32, #tpu.memory_space<vmem>>) target_semaphore(%run_scoped3A : memref<!tpu.dma_semaphore, #tpu.memory_space<semaphore_mem>>)
      %dma_wait3A_470 = tpu.memref_slice %arg3[%mul3A_2] : memref<4096xi32, #tpu.memory_space<hbm>> -> memref<128xi32, #tpu.memory_space<hbm>>
      %dma_wait3A_471 = tpu.memref_slice %arg3[%mul3A_2] : memref<4096xi32, #tpu.memory_space<hbm>> -> memref<128xi32, #tpu.memory_space<hbm>>
      tpu.wait_dma2 semaphore(%run_scoped3A : memref<!tpu.dma_semaphore, #tpu.memory_space<semaphore_mem>>) src(%dma_wait3A_471 : memref<128xi32, #tpu.memory_space<hbm>>) dst(%arg14 : memref<128xi32, #tpu.memory_space<vmem>>)
      tpu.yield
    }) : () -> ()
    %get3A_112 = arith.constant 0 : index
    %get3A_113 = tpu.vector_load %arg14[%get3A_112] {strides = array<i32>} : memref<128xi32, #tpu.memory_space<vmem>>, vector<16xi32>,
    %get3A_114 = vector.shape_cast %get3A_113 : vector<16xi32> to vector<16xi32>
    %ge3A_115 = arith.constant 53248 : i32
    %ge3A_116 = vector.broadcast %ge3A_115 : i32 to vector<16xi32>
    %ge3A_117 = arith.cmpi sge, %get3A_114, %ge3A_116 : vector<16xi32>
    %sub3A_118 = arith.constant 53248 : i32
    %sub3A_119 = vector.broadcast %sub3A_118 : i32 to vector<16xi32>
    %sub3A_120 = arith.subi %get3A_114, %sub3A_119 : vector<16xi32>
    %select_n3A_121 = arith.select %ge3A_117, %sub3A_120, %get3A_114 : vector<16xi1>, vector<16xi32>
    %swap3A_122 = arith.constant 0 : index
    %swap3A_123 = tpu.vector_load %arg16[%swap3A_122] {strides = array<i32>} : memref<128xi32, #tpu.memory_space<vmem>>, vector<16xi32>,
    %swap3A_124 = vector.shape_cast %swap3A_123 : vector<16xi32> to vector<16xi32>
    %swap3A_125 = vector.shape_cast %select_n3A_121 : vector<16xi32> to vector<16xi32>
    tpu.vector_store %arg16[%swap3A_122], %swap3A_125 {strides = array<i32>} : memref<128xi32, #tpu.memory_space<vmem>>, vector<16xi32>,
    %get3A_126 = arith.constant 16 : index
    %get3A_127 = tpu.vector_load %arg14[%get3A_126] {strides = array<i32>} : memref<128xi32, #tpu.memory_space<vmem>>, vector<16xi32>,
    %get3A_128 = vector.shape_cast %get3A_127 : vector<16xi32> to vector<16xi32>
    %ge3A_129 = arith.constant 53248 : i32
    %ge3A_130 = vector.broadcast %ge3A_129 : i32 to vector<16xi32>
    %ge3A_131 = arith.cmpi sge, %get3A_128, %ge3A_130 : vector<16xi32>
    %sub3A_132 = arith.constant 53248 : i32
    %sub3A_133 = vector.broadcast %sub3A_132 : i32 to vector<16xi32>
    %sub3A_134 = arith.subi %get3A_128, %sub3A_133 : vector<16xi32>
    %select_n3A_135 = arith.select %ge3A_131, %sub3A_134, %get3A_128 : vector<16xi1>, vector<16xi32>
    %swap3A_136 = arith.constant 16 : index
    %swap3A_137 = tpu.vector_load %arg16[%swap3A_136] {strides = array<i32>} : memref<128xi32, #tpu.memory_space<vmem>>, vector<16xi32>,
    %swap3A_138 = vector.shape_cast %swap3A_137 : vector<16xi32> to vector<16xi32>
    %swap3A_139 = vector.shape_cast %select_n3A_135 : vector<16xi32> to vector<16xi32>
    tpu.vector_store %arg16[%swap3A_136], %swap3A_139 {strides = array<i32>} : memref<128xi32, #tpu.memory_space<vmem>>, vector<16xi32>,
    %get3A_140 = arith.constant 32 : index
    %get3A_141 = tpu.vector_load %arg14[%get3A_140] {strides = array<i32>} : memref<128xi32, #tpu.memory_space<vmem>>, vector<16xi32>,
    %get3A_142 = vector.shape_cast %get3A_141 : vector<16xi32> to vector<16xi32>
    %ge3A_143 = arith.constant 53248 : i32
    %ge3A_144 = vector.broadcast %ge3A_143 : i32 to vector<16xi32>
    %ge3A_145 = arith.cmpi sge, %get3A_142, %ge3A_144 : vector<16xi32>
    %sub3A_146 = arith.constant 53248 : i32
    %sub3A_147 = vector.broadcast %sub3A_146 : i32 to vector<16xi32>
    %sub3A_148 = arith.subi %get3A_142, %sub3A_147 : vector<16xi32>
    %select_n3A_149 = arith.select %ge3A_145, %sub3A_148, %get3A_142 : vector<16xi1>, vector<16xi32>
    %swap3A_150 = arith.constant 32 : index
    %swap3A_151 = tpu.vector_load %arg16[%swap3A_150] {strides = array<i32>} : memref<128xi32, #tpu.memory_space<vmem>>, vector<16xi32>,
    %swap3A_152 = vector.shape_cast %swap3A_151 : vector<16xi32> to vector<16xi32>
    %swap3A_153 = vector.shape_cast %select_n3A_149 : vector<16xi32> to vector<16xi32>
    tpu.vector_store %arg16[%swap3A_150], %swap3A_153 {strides = array<i32>} : memref<128xi32, #tpu.memory_space<vmem>>, vector<16xi32>,
    %get3A_154 = arith.constant 48 : index
    %get3A_155 = tpu.vector_load %arg14[%get3A_154] {strides = array<i32>} : memref<128xi32, #tpu.memory_space<vmem>>, vector<16xi32>,
    %get3A_156 = vector.shape_cast %get3A_155 : vector<16xi32> to vector<16xi32>
    %ge3A_157 = arith.constant 53248 : i32
    %ge3A_158 = vector.broadcast %ge3A_157 : i32 to vector<16xi32>
    %ge3A_159 = arith.cmpi sge, %get3A_156, %ge3A_158 : vector<16xi32>
    %sub3A_160 = arith.constant 53248 : i32
    %sub3A_161 = vector.broadcast %sub3A_160 : i32 to vector<16xi32>
    %sub3A_162 = arith.subi %get3A_156, %sub3A_161 : vector<16xi32>
    %select_n3A_163 = arith.select %ge3A_159, %sub3A_162, %get3A_156 : vector<16xi1>, vector<16xi32>
    %swap3A_164 = arith.constant 48 : index
    %swap3A_165 = tpu.vector_load %arg16[%swap3A_164] {strides = array<i32>} : memref<128xi32, #tpu.memory_space<vmem>>, vector<16xi32>,
    %swap3A_166 = vector.shape_cast %swap3A_165 : vector<16xi32> to vector<16xi32>
    %swap3A_167 = vector.shape_cast %select_n3A_163 : vector<16xi32> to vector<16xi32>
    tpu.vector_store %arg16[%swap3A_164], %swap3A_167 {strides = array<i32>} : memref<128xi32, #tpu.memory_space<vmem>>, vector<16xi32>,
    %get3A_168 = arith.constant 64 : index
    %get3A_169 = tpu.vector_load %arg14[%get3A_168] {strides = array<i32>} : memref<128xi32, #tpu.memory_space<vmem>>, vector<16xi32>,
    %get3A_170 = vector.shape_cast %get3A_169 : vector<16xi32> to vector<16xi32>
    %ge3A_171 = arith.constant 53248 : i32
    %ge3A_172 = vector.broadcast %ge3A_171 : i32 to vector<16xi32>
    %ge3A_173 = arith.cmpi sge, %get3A_170, %ge3A_172 : vector<16xi32>
    %sub3A_174 = arith.constant 53248 : i32
    %sub3A_175 = vector.broadcast %sub3A_174 : i32 to vector<16xi32>
    %sub3A_176 = arith.subi %get3A_170, %sub3A_175 : vector<16xi32>
    %select_n3A_177 = arith.select %ge3A_173, %sub3A_176, %get3A_170 : vector<16xi1>, vector<16xi32>
    %swap3A_178 = arith.constant 64 : index
    %swap3A_179 = tpu.vector_load %arg16[%swap3A_178] {strides = array<i32>} : memref<128xi32, #tpu.memory_space<vmem>>, vector<16xi32>,
    %swap3A_180 = vector.shape_cast %swap3A_179 : vector<16xi32> to vector<16xi32>
    %swap3A_181 = vector.shape_cast %select_n3A_177 : vector<16xi32> to vector<16xi32>
    tpu.vector_store %arg16[%swap3A_178], %swap3A_181 {strides = array<i32>} : memref<128xi32, #tpu.memory_space<vmem>>, vector<16xi32>,
    %get3A_182 = arith.constant 80 : index
    %get3A_183 = tpu.vector_load %arg14[%get3A_182] {strides = array<i32>} : memref<128xi32, #tpu.memory_space<vmem>>, vector<16xi32>,
    %get3A_184 = vector.shape_cast %get3A_183 : vector<16xi32> to vector<16xi32>
    %ge3A_185 = arith.constant 53248 : i32
    %ge3A_186 = vector.broadcast %ge3A_185 : i32 to vector<16xi32>
    %ge3A_187 = arith.cmpi sge, %get3A_184, %ge3A_186 : vector<16xi32>
    %sub3A_188 = arith.constant 53248 : i32
    %sub3A_189 = vector.broadcast %sub3A_188 : i32 to vector<16xi32>
    %sub3A_190 = arith.subi %get3A_184, %sub3A_189 : vector<16xi32>
    %select_n3A_191 = arith.select %ge3A_187, %sub3A_190, %get3A_184 : vector<16xi1>, vector<16xi32>
    %swap3A_192 = arith.constant 80 : index
    %swap3A_193 = tpu.vector_load %arg16[%swap3A_192] {strides = array<i32>} : memref<128xi32, #tpu.memory_space<vmem>>, vector<16xi32>,
    %swap3A_194 = vector.shape_cast %swap3A_193 : vector<16xi32> to vector<16xi32>
    %swap3A_195 = vector.shape_cast %select_n3A_191 : vector<16xi32> to vector<16xi32>
    tpu.vector_store %arg16[%swap3A_192], %swap3A_195 {strides = array<i32>} : memref<128xi32, #tpu.memory_space<vmem>>, vector<16xi32>,
    %get3A_196 = arith.constant 96 : index
    %get3A_197 = tpu.vector_load %arg14[%get3A_196] {strides = array<i32>} : memref<128xi32, #tpu.memory_space<vmem>>, vector<16xi32>,
    %get3A_198 = vector.shape_cast %get3A_197 : vector<16xi32> to vector<16xi32>
    %ge3A_199 = arith.constant 53248 : i32
    %ge3A_200 = vector.broadcast %ge3A_199 : i32 to vector<16xi32>
    %ge3A_201 = arith.cmpi sge, %get3A_198, %ge3A_200 : vector<16xi32>
    %sub3A_202 = arith.constant 53248 : i32
    %sub3A_203 = vector.broadcast %sub3A_202 : i32 to vector<16xi32>
    %sub3A_204 = arith.subi %get3A_198, %sub3A_203 : vector<16xi32>
    %select_n3A_205 = arith.select %ge3A_201, %sub3A_204, %get3A_198 : vector<16xi1>, vector<16xi32>
    %swap3A_206 = arith.constant 96 : index
    %swap3A_207 = tpu.vector_load %arg16[%swap3A_206] {strides = array<i32>} : memref<128xi32, #tpu.memory_space<vmem>>, vector<16xi32>,
    %swap3A_208 = vector.shape_cast %swap3A_207 : vector<16xi32> to vector<16xi32>
    %swap3A_209 = vector.shape_cast %select_n3A_205 : vector<16xi32> to vector<16xi32>
    tpu.vector_store %arg16[%swap3A_206], %swap3A_209 {strides = array<i32>} : memref<128xi32, #tpu.memory_space<vmem>>, vector<16xi32>,
    %get3A_210 = arith.constant 112 : index
    %get3A_211 = tpu.vector_load %arg14[%get3A_210] {strides = array<i32>} : memref<128xi32, #tpu.memory_space<vmem>>, vector<16xi32>,
    %get3A_212 = vector.shape_cast %get3A_211 : vector<16xi32> to vector<16xi32>
    %ge3A_213 = arith.constant 53248 : i32
    %ge3A_214 = vector.broadcast %ge3A_213 : i32 to vector<16xi32>
    %ge3A_215 = arith.cmpi sge, %get3A_212, %ge3A_214 : vector<16xi32>
    %sub3A_216 = arith.constant 53248 : i32
    %sub3A_217 = vector.broadcast %sub3A_216 : i32 to vector<16xi32>
    %sub3A_218 = arith.subi %get3A_212, %sub3A_217 : vector<16xi32>
    %select_n3A_219 = arith.select %ge3A_215, %sub3A_218, %get3A_212 : vector<16xi1>, vector<16xi32>
    %swap3A_220 = arith.constant 112 : index
    %swap3A_221 = tpu.vector_load %arg16[%swap3A_220] {strides = array<i32>} : memref<128xi32, #tpu.memory_space<vmem>>, vector<16xi32>,
    %swap3A_222 = vector.shape_cast %swap3A_221 : vector<16xi32> to vector<16xi32>
    %swap3A_223 = vector.shape_cast %select_n3A_219 : vector<16xi32> to vector<16xi32>
    tpu.vector_store %arg16[%swap3A_220], %swap3A_223 {strides = array<i32>} : memref<128xi32, #tpu.memory_space<vmem>>, vector<16xi32>,
    %dma_start3A_224 = arith.constant 0 : i32
    %dma_start3A_225 = arith.constant 0 : i32
    %dma_start3A_226 = tpu.memref_slice %arg7[%dma_start3A_224, %dma_start3A_225] : memref<53248x128xi32, #tpu.memory_space<hbm>> -> memref<53248x128xi32, #tpu.memory_space<hbm>>
    tpu.enqueue_indirect_dma source(%dma_start3A_226 : memref<53248x128xi32, #tpu.memory_space<hbm>>) target(%arg20 : memref<128x128xi32, #tpu.memory_space<vmem>>) offsets(%arg16 : memref<128xi32, #tpu.memory_space<vmem>>) semaphore(%arg23 : memref<!tpu.dma_semaphore, #tpu.memory_space<semaphore_mem>>)
    "tpu.region"() ({
      %run_scoped3A = tpu.sem_alloc : memref<!tpu.dma_semaphore, #tpu.memory_space<semaphore_mem>>
      %dma_start3A_468 = tpu.memref_slice %arg4[%mul3A_2] : memref<4096xi32, #tpu.memory_space<hbm>> -> memref<128xi32, #tpu.memory_space<hbm>>
      %dma_start3A_469 = tpu.memref_slice %arg4[%mul3A_2] : memref<4096xi32, #tpu.memory_space<hbm>> -> memref<128xi32, #tpu.memory_space<hbm>>
      tpu.enqueue_dma source(%dma_start3A_469 : memref<128xi32, #tpu.memory_space<hbm>>) target(%arg14 : memref<128xi32, #tpu.memory_space<vmem>>) target_semaphore(%run_scoped3A : memref<!tpu.dma_semaphore, #tpu.memory_space<semaphore_mem>>)
      %dma_wait3A_470 = tpu.memref_slice %arg4[%mul3A_2] : memref<4096xi32, #tpu.memory_space<hbm>> -> memref<128xi32, #tpu.memory_space<hbm>>
      %dma_wait3A_471 = tpu.memref_slice %arg4[%mul3A_2] : memref<4096xi32, #tpu.memory_space<hbm>> -> memref<128xi32, #tpu.memory_space<hbm>>
      tpu.wait_dma2 semaphore(%run_scoped3A : memref<!tpu.dma_semaphore, #tpu.memory_space<semaphore_mem>>) src(%dma_wait3A_471 : memref<128xi32, #tpu.memory_space<hbm>>) dst(%arg14 : memref<128xi32, #tpu.memory_space<vmem>>)
      tpu.yield
    }) : () -> ()
    %get3A_227 = arith.constant 0 : index
    %get3A_228 = tpu.vector_load %arg14[%get3A_227] {strides = array<i32>} : memref<128xi32, #tpu.memory_space<vmem>>, vector<16xi32>,
    %get3A_229 = vector.shape_cast %get3A_228 : vector<16xi32> to vector<16xi32>
    %ge3A_230 = arith.constant 53248 : i32
    %ge3A_231 = vector.broadcast %ge3A_230 : i32 to vector<16xi32>
    %ge3A_232 = arith.cmpi sge, %get3A_229, %ge3A_231 : vector<16xi32>
    %sub3A_233 = arith.constant 53248 : i32
    %sub3A_234 = vector.broadcast %sub3A_233 : i32 to vector<16xi32>
    %sub3A_235 = arith.subi %get3A_229, %sub3A_234 : vector<16xi32>
    %select_n3A_236 = arith.select %ge3A_232, %sub3A_235, %get3A_229 : vector<16xi1>, vector<16xi32>
    %swap3A_237 = arith.constant 0 : index
    %swap3A_238 = tpu.vector_load %arg17[%swap3A_237] {strides = array<i32>} : memref<128xi32, #tpu.memory_space<vmem>>, vector<16xi32>,
    %swap3A_239 = vector.shape_cast %swap3A_238 : vector<16xi32> to vector<16xi32>
    %swap3A_240 = vector.shape_cast %select_n3A_236 : vector<16xi32> to vector<16xi32>
    tpu.vector_store %arg17[%swap3A_237], %swap3A_240 {strides = array<i32>} : memref<128xi32, #tpu.memory_space<vmem>>, vector<16xi32>,
    %get3A_241 = arith.constant 16 : index
    %get3A_242 = tpu.vector_load %arg14[%get3A_241] {strides = array<i32>} : memref<128xi32, #tpu.memory_space<vmem>>, vector<16xi32>,
    %get3A_243 = vector.shape_cast %get3A_242 : vector<16xi32> to vector<16xi32>
    %ge3A_244 = arith.constant 53248 : i32
    %ge3A_245 = vector.broadcast %ge3A_244 : i32 to vector<16xi32>
    %ge3A_246 = arith.cmpi sge, %get3A_243, %ge3A_245 : vector<16xi32>
    %sub3A_247 = arith.constant 53248 : i32
    %sub3A_248 = vector.broadcast %sub3A_247 : i32 to vector<16xi32>
    %sub3A_249 = arith.subi %get3A_243, %sub3A_248 : vector<16xi32>
    %select_n3A_250 = arith.select %ge3A_246, %sub3A_249, %get3A_243 : vector<16xi1>, vector<16xi32>
    %swap3A_251 = arith.constant 16 : index
    %swap3A_252 = tpu.vector_load %arg17[%swap3A_251] {strides = array<i32>} : memref<128xi32, #tpu.memory_space<vmem>>, vector<16xi32>,
    %swap3A_253 = vector.shape_cast %swap3A_252 : vector<16xi32> to vector<16xi32>
    %swap3A_254 = vector.shape_cast %select_n3A_250 : vector<16xi32> to vector<16xi32>
    tpu.vector_store %arg17[%swap3A_251], %swap3A_254 {strides = array<i32>} : memref<128xi32, #tpu.memory_space<vmem>>, vector<16xi32>,
    %get3A_255 = arith.constant 32 : index
    %get3A_256 = tpu.vector_load %arg14[%get3A_255] {strides = array<i32>} : memref<128xi32, #tpu.memory_space<vmem>>, vector<16xi32>,
    %get3A_257 = vector.shape_cast %get3A_256 : vector<16xi32> to vector<16xi32>
    %ge3A_258 = arith.constant 53248 : i32
    %ge3A_259 = vector.broadcast %ge3A_258 : i32 to vector<16xi32>
    %ge3A_260 = arith.cmpi sge, %get3A_257, %ge3A_259 : vector<16xi32>
    %sub3A_261 = arith.constant 53248 : i32
    %sub3A_262 = vector.broadcast %sub3A_261 : i32 to vector<16xi32>
    %sub3A_263 = arith.subi %get3A_257, %sub3A_262 : vector<16xi32>
    %select_n3A_264 = arith.select %ge3A_260, %sub3A_263, %get3A_257 : vector<16xi1>, vector<16xi32>
    %swap3A_265 = arith.constant 32 : index
    %swap3A_266 = tpu.vector_load %arg17[%swap3A_265] {strides = array<i32>} : memref<128xi32, #tpu.memory_space<vmem>>, vector<16xi32>,
    %swap3A_267 = vector.shape_cast %swap3A_266 : vector<16xi32> to vector<16xi32>
    %swap3A_268 = vector.shape_cast %select_n3A_264 : vector<16xi32> to vector<16xi32>
    tpu.vector_store %arg17[%swap3A_265], %swap3A_268 {strides = array<i32>} : memref<128xi32, #tpu.memory_space<vmem>>, vector<16xi32>,
    %get3A_269 = arith.constant 48 : index
    %get3A_270 = tpu.vector_load %arg14[%get3A_269] {strides = array<i32>} : memref<128xi32, #tpu.memory_space<vmem>>, vector<16xi32>,
    %get3A_271 = vector.shape_cast %get3A_270 : vector<16xi32> to vector<16xi32>
    %ge3A_272 = arith.constant 53248 : i32
    %ge3A_273 = vector.broadcast %ge3A_272 : i32 to vector<16xi32>
    %ge3A_274 = arith.cmpi sge, %get3A_271, %ge3A_273 : vector<16xi32>
    %sub3A_275 = arith.constant 53248 : i32
    %sub3A_276 = vector.broadcast %sub3A_275 : i32 to vector<16xi32>
    %sub3A_277 = arith.subi %get3A_271, %sub3A_276 : vector<16xi32>
    %select_n3A_278 = arith.select %ge3A_274, %sub3A_277, %get3A_271 : vector<16xi1>, vector<16xi32>
    %swap3A_279 = arith.constant 48 : index
    %swap3A_280 = tpu.vector_load %arg17[%swap3A_279] {strides = array<i32>} : memref<128xi32, #tpu.memory_space<vmem>>, vector<16xi32>,
    %swap3A_281 = vector.shape_cast %swap3A_280 : vector<16xi32> to vector<16xi32>
    %swap3A_282 = vector.shape_cast %select_n3A_278 : vector<16xi32> to vector<16xi32>
    tpu.vector_store %arg17[%swap3A_279], %swap3A_282 {strides = array<i32>} : memref<128xi32, #tpu.memory_space<vmem>>, vector<16xi32>,
    %get3A_283 = arith.constant 64 : index
    %get3A_284 = tpu.vector_load %arg14[%get3A_283] {strides = array<i32>} : memref<128xi32, #tpu.memory_space<vmem>>, vector<16xi32>,
    %get3A_285 = vector.shape_cast %get3A_284 : vector<16xi32> to vector<16xi32>
    %ge3A_286 = arith.constant 53248 : i32
    %ge3A_287 = vector.broadcast %ge3A_286 : i32 to vector<16xi32>
    %ge3A_288 = arith.cmpi sge, %get3A_285, %ge3A_287 : vector<16xi32>
    %sub3A_289 = arith.constant 53248 : i32
    %sub3A_290 = vector.broadcast %sub3A_289 : i32 to vector<16xi32>
    %sub3A_291 = arith.subi %get3A_285, %sub3A_290 : vector<16xi32>
    %select_n3A_292 = arith.select %ge3A_288, %sub3A_291, %get3A_285 : vector<16xi1>, vector<16xi32>
    %swap3A_293 = arith.constant 64 : index
    %swap3A_294 = tpu.vector_load %arg17[%swap3A_293] {strides = array<i32>} : memref<128xi32, #tpu.memory_space<vmem>>, vector<16xi32>,
    %swap3A_295 = vector.shape_cast %swap3A_294 : vector<16xi32> to vector<16xi32>
    %swap3A_296 = vector.shape_cast %select_n3A_292 : vector<16xi32> to vector<16xi32>
    tpu.vector_store %arg17[%swap3A_293], %swap3A_296 {strides = array<i32>} : memref<128xi32, #tpu.memory_space<vmem>>, vector<16xi32>,
    %get3A_297 = arith.constant 80 : index
    %get3A_298 = tpu.vector_load %arg14[%get3A_297] {strides = array<i32>} : memref<128xi32, #tpu.memory_space<vmem>>, vector<16xi32>,
    %get3A_299 = vector.shape_cast %get3A_298 : vector<16xi32> to vector<16xi32>
    %ge3A_300 = arith.constant 53248 : i32
    %ge3A_301 = vector.broadcast %ge3A_300 : i32 to vector<16xi32>
    %ge3A_302 = arith.cmpi sge, %get3A_299, %ge3A_301 : vector<16xi32>
    %sub3A_303 = arith.constant 53248 : i32
    %sub3A_304 = vector.broadcast %sub3A_303 : i32 to vector<16xi32>
    %sub3A_305 = arith.subi %get3A_299, %sub3A_304 : vector<16xi32>
    %select_n3A_306 = arith.select %ge3A_302, %sub3A_305, %get3A_299 : vector<16xi1>, vector<16xi32>
    %swap3A_307 = arith.constant 80 : index
    %swap3A_308 = tpu.vector_load %arg17[%swap3A_307] {strides = array<i32>} : memref<128xi32, #tpu.memory_space<vmem>>, vector<16xi32>,
    %swap3A_309 = vector.shape_cast %swap3A_308 : vector<16xi32> to vector<16xi32>
    %swap3A_310 = vector.shape_cast %select_n3A_306 : vector<16xi32> to vector<16xi32>
    tpu.vector_store %arg17[%swap3A_307], %swap3A_310 {strides = array<i32>} : memref<128xi32, #tpu.memory_space<vmem>>, vector<16xi32>,
    %get3A_311 = arith.constant 96 : index
    %get3A_312 = tpu.vector_load %arg14[%get3A_311] {strides = array<i32>} : memref<128xi32, #tpu.memory_space<vmem>>, vector<16xi32>,
    %get3A_313 = vector.shape_cast %get3A_312 : vector<16xi32> to vector<16xi32>
    %ge3A_314 = arith.constant 53248 : i32
    %ge3A_315 = vector.broadcast %ge3A_314 : i32 to vector<16xi32>
    %ge3A_316 = arith.cmpi sge, %get3A_313, %ge3A_315 : vector<16xi32>
    %sub3A_317 = arith.constant 53248 : i32
    %sub3A_318 = vector.broadcast %sub3A_317 : i32 to vector<16xi32>
    %sub3A_319 = arith.subi %get3A_313, %sub3A_318 : vector<16xi32>
    %select_n3A_320 = arith.select %ge3A_316, %sub3A_319, %get3A_313 : vector<16xi1>, vector<16xi32>
    %swap3A_321 = arith.constant 96 : index
    %swap3A_322 = tpu.vector_load %arg17[%swap3A_321] {strides = array<i32>} : memref<128xi32, #tpu.memory_space<vmem>>, vector<16xi32>,
    %swap3A_323 = vector.shape_cast %swap3A_322 : vector<16xi32> to vector<16xi32>
    %swap3A_324 = vector.shape_cast %select_n3A_320 : vector<16xi32> to vector<16xi32>
    tpu.vector_store %arg17[%swap3A_321], %swap3A_324 {strides = array<i32>} : memref<128xi32, #tpu.memory_space<vmem>>, vector<16xi32>,
    %get3A_325 = arith.constant 112 : index
    %get3A_326 = tpu.vector_load %arg14[%get3A_325] {strides = array<i32>} : memref<128xi32, #tpu.memory_space<vmem>>, vector<16xi32>,
    %get3A_327 = vector.shape_cast %get3A_326 : vector<16xi32> to vector<16xi32>
    %ge3A_328 = arith.constant 53248 : i32
    %ge3A_329 = vector.broadcast %ge3A_328 : i32 to vector<16xi32>
    %ge3A_330 = arith.cmpi sge, %get3A_327, %ge3A_329 : vector<16xi32>
    %sub3A_331 = arith.constant 53248 : i32
    %sub3A_332 = vector.broadcast %sub3A_331 : i32 to vector<16xi32>
    %sub3A_333 = arith.subi %get3A_327, %sub3A_332 : vector<16xi32>
    %select_n3A_334 = arith.select %ge3A_330, %sub3A_333, %get3A_327 : vector<16xi1>, vector<16xi32>
    %swap3A_335 = arith.constant 112 : index
    %swap3A_336 = tpu.vector_load %arg17[%swap3A_335] {strides = array<i32>} : memref<128xi32, #tpu.memory_space<vmem>>, vector<16xi32>,
    %swap3A_337 = vector.shape_cast %swap3A_336 : vector<16xi32> to vector<16xi32>
    %swap3A_338 = vector.shape_cast %select_n3A_334 : vector<16xi32> to vector<16xi32>
    tpu.vector_store %arg17[%swap3A_335], %swap3A_338 {strides = array<i32>} : memref<128xi32, #tpu.memory_space<vmem>>, vector<16xi32>,
    %dma_start3A_339 = arith.constant 0 : i32
    %dma_start3A_340 = arith.constant 0 : i32
    %dma_start3A_341 = tpu.memref_slice %arg8[%dma_start3A_339, %dma_start3A_340] : memref<53248x128xi32, #tpu.memory_space<hbm>> -> memref<53248x128xi32, #tpu.memory_space<hbm>>
    tpu.enqueue_indirect_dma source(%dma_start3A_341 : memref<53248x128xi32, #tpu.memory_space<hbm>>) target(%arg21 : memref<128x128xi32, #tpu.memory_space<vmem>>) offsets(%arg17 : memref<128xi32, #tpu.memory_space<vmem>>) semaphore(%arg23 : memref<!tpu.dma_semaphore, #tpu.memory_space<semaphore_mem>>)
    "tpu.region"() ({
      %run_scoped3A = tpu.sem_alloc : memref<!tpu.dma_semaphore, #tpu.memory_space<semaphore_mem>>
      %dma_start3A_468 = tpu.memref_slice %arg5[%mul3A_2] : memref<4096xi32, #tpu.memory_space<hbm>> -> memref<128xi32, #tpu.memory_space<hbm>>
      %dma_start3A_469 = tpu.memref_slice %arg5[%mul3A_2] : memref<4096xi32, #tpu.memory_space<hbm>> -> memref<128xi32, #tpu.memory_space<hbm>>
      tpu.enqueue_dma source(%dma_start3A_469 : memref<128xi32, #tpu.memory_space<hbm>>) target(%arg14 : memref<128xi32, #tpu.memory_space<vmem>>) target_semaphore(%run_scoped3A : memref<!tpu.dma_semaphore, #tpu.memory_space<semaphore_mem>>)
      %dma_wait3A_470 = tpu.memref_slice %arg5[%mul3A_2] : memref<4096xi32, #tpu.memory_space<hbm>> -> memref<128xi32, #tpu.memory_space<hbm>>
      %dma_wait3A_471 = tpu.memref_slice %arg5[%mul3A_2] : memref<4096xi32, #tpu.memory_space<hbm>> -> memref<128xi32, #tpu.memory_space<hbm>>
      tpu.wait_dma2 semaphore(%run_scoped3A : memref<!tpu.dma_semaphore, #tpu.memory_space<semaphore_mem>>) src(%dma_wait3A_471 : memref<128xi32, #tpu.memory_space<hbm>>) dst(%arg14 : memref<128xi32, #tpu.memory_space<vmem>>)
      tpu.yield
    }) : () -> ()
    %get3A_342 = arith.constant 0 : index
    %get3A_343 = tpu.vector_load %arg14[%get3A_342] {strides = array<i32>} : memref<128xi32, #tpu.memory_space<vmem>>, vector<16xi32>,
    %get3A_344 = vector.shape_cast %get3A_343 : vector<16xi32> to vector<16xi32>
    %ge3A_345 = arith.constant 53248 : i32
    %ge3A_346 = vector.broadcast %ge3A_345 : i32 to vector<16xi32>
    %ge3A_347 = arith.cmpi sge, %get3A_344, %ge3A_346 : vector<16xi32>
    %sub3A_348 = arith.constant 53248 : i32
    %sub3A_349 = vector.broadcast %sub3A_348 : i32 to vector<16xi32>
    %sub3A_350 = arith.subi %get3A_344, %sub3A_349 : vector<16xi32>
    %select_n3A_351 = arith.select %ge3A_347, %sub3A_350, %get3A_344 : vector<16xi1>, vector<16xi32>
    %swap3A_352 = arith.constant 0 : index
    %swap3A_353 = tpu.vector_load %arg18[%swap3A_352] {strides = array<i32>} : memref<128xi32, #tpu.memory_space<vmem>>, vector<16xi32>,
    %swap3A_354 = vector.shape_cast %swap3A_353 : vector<16xi32> to vector<16xi32>
    %swap3A_355 = vector.shape_cast %select_n3A_351 : vector<16xi32> to vector<16xi32>
    tpu.vector_store %arg18[%swap3A_352], %swap3A_355 {strides = array<i32>} : memref<128xi32, #tpu.memory_space<vmem>>, vector<16xi32>,
    %get3A_356 = arith.constant 16 : index
    %get3A_357 = tpu.vector_load %arg14[%get3A_356] {strides = array<i32>} : memref<128xi32, #tpu.memory_space<vmem>>, vector<16xi32>,
    %get3A_358 = vector.shape_cast %get3A_357 : vector<16xi32> to vector<16xi32>
    %ge3A_359 = arith.constant 53248 : i32
    %ge3A_360 = vector.broadcast %ge3A_359 : i32 to vector<16xi32>
    %ge3A_361 = arith.cmpi sge, %get3A_358, %ge3A_360 : vector<16xi32>
    %sub3A_362 = arith.constant 53248 : i32
    %sub3A_363 = vector.broadcast %sub3A_362 : i32 to vector<16xi32>
    %sub3A_364 = arith.subi %get3A_358, %sub3A_363 : vector<16xi32>
    %select_n3A_365 = arith.select %ge3A_361, %sub3A_364, %get3A_358 : vector<16xi1>, vector<16xi32>
    %swap3A_366 = arith.constant 16 : index
    %swap3A_367 = tpu.vector_load %arg18[%swap3A_366] {strides = array<i32>} : memref<128xi32, #tpu.memory_space<vmem>>, vector<16xi32>,
    %swap3A_368 = vector.shape_cast %swap3A_367 : vector<16xi32> to vector<16xi32>
    %swap3A_369 = vector.shape_cast %select_n3A_365 : vector<16xi32> to vector<16xi32>
    tpu.vector_store %arg18[%swap3A_366], %swap3A_369 {strides = array<i32>} : memref<128xi32, #tpu.memory_space<vmem>>, vector<16xi32>,
    %get3A_370 = arith.constant 32 : index
    %get3A_371 = tpu.vector_load %arg14[%get3A_370] {strides = array<i32>} : memref<128xi32, #tpu.memory_space<vmem>>, vector<16xi32>,
    %get3A_372 = vector.shape_cast %get3A_371 : vector<16xi32> to vector<16xi32>
    %ge3A_373 = arith.constant 53248 : i32
    %ge3A_374 = vector.broadcast %ge3A_373 : i32 to vector<16xi32>
    %ge3A_375 = arith.cmpi sge, %get3A_372, %ge3A_374 : vector<16xi32>
    %sub3A_376 = arith.constant 53248 : i32
    %sub3A_377 = vector.broadcast %sub3A_376 : i32 to vector<16xi32>
    %sub3A_378 = arith.subi %get3A_372, %sub3A_377 : vector<16xi32>
    %select_n3A_379 = arith.select %ge3A_375, %sub3A_378, %get3A_372 : vector<16xi1>, vector<16xi32>
    %swap3A_380 = arith.constant 32 : index
    %swap3A_381 = tpu.vector_load %arg18[%swap3A_380] {strides = array<i32>} : memref<128xi32, #tpu.memory_space<vmem>>, vector<16xi32>,
    %swap3A_382 = vector.shape_cast %swap3A_381 : vector<16xi32> to vector<16xi32>
    %swap3A_383 = vector.shape_cast %select_n3A_379 : vector<16xi32> to vector<16xi32>
    tpu.vector_store %arg18[%swap3A_380], %swap3A_383 {strides = array<i32>} : memref<128xi32, #tpu.memory_space<vmem>>, vector<16xi32>,
    %get3A_384 = arith.constant 48 : index
    %get3A_385 = tpu.vector_load %arg14[%get3A_384] {strides = array<i32>} : memref<128xi32, #tpu.memory_space<vmem>>, vector<16xi32>,
    %get3A_386 = vector.shape_cast %get3A_385 : vector<16xi32> to vector<16xi32>
    %ge3A_387 = arith.constant 53248 : i32
    %ge3A_388 = vector.broadcast %ge3A_387 : i32 to vector<16xi32>
    %ge3A_389 = arith.cmpi sge, %get3A_386, %ge3A_388 : vector<16xi32>
    %sub3A_390 = arith.constant 53248 : i32
    %sub3A_391 = vector.broadcast %sub3A_390 : i32 to vector<16xi32>
    %sub3A_392 = arith.subi %get3A_386, %sub3A_391 : vector<16xi32>
    %select_n3A_393 = arith.select %ge3A_389, %sub3A_392, %get3A_386 : vector<16xi1>, vector<16xi32>
    %swap3A_394 = arith.constant 48 : index
    %swap3A_395 = tpu.vector_load %arg18[%swap3A_394] {strides = array<i32>} : memref<128xi32, #tpu.memory_space<vmem>>, vector<16xi32>,
    %swap3A_396 = vector.shape_cast %swap3A_395 : vector<16xi32> to vector<16xi32>
    %swap3A_397 = vector.shape_cast %select_n3A_393 : vector<16xi32> to vector<16xi32>
    tpu.vector_store %arg18[%swap3A_394], %swap3A_397 {strides = array<i32>} : memref<128xi32, #tpu.memory_space<vmem>>, vector<16xi32>,
    %get3A_398 = arith.constant 64 : index
    %get3A_399 = tpu.vector_load %arg14[%get3A_398] {strides = array<i32>} : memref<128xi32, #tpu.memory_space<vmem>>, vector<16xi32>,
    %get3A_400 = vector.shape_cast %get3A_399 : vector<16xi32> to vector<16xi32>
    %ge3A_401 = arith.constant 53248 : i32
    %ge3A_402 = vector.broadcast %ge3A_401 : i32 to vector<16xi32>
    %ge3A_403 = arith.cmpi sge, %get3A_400, %ge3A_402 : vector<16xi32>
    %sub3A_404 = arith.constant 53248 : i32
    %sub3A_405 = vector.broadcast %sub3A_404 : i32 to vector<16xi32>
    %sub3A_406 = arith.subi %get3A_400, %sub3A_405 : vector<16xi32>
    %select_n3A_407 = arith.select %ge3A_403, %sub3A_406, %get3A_400 : vector<16xi1>, vector<16xi32>
    %swap3A_408 = arith.constant 64 : index
    %swap3A_409 = tpu.vector_load %arg18[%swap3A_408] {strides = array<i32>} : memref<128xi32, #tpu.memory_space<vmem>>, vector<16xi32>,
    %swap3A_410 = vector.shape_cast %swap3A_409 : vector<16xi32> to vector<16xi32>
    %swap3A_411 = vector.shape_cast %select_n3A_407 : vector<16xi32> to vector<16xi32>
    tpu.vector_store %arg18[%swap3A_408], %swap3A_411 {strides = array<i32>} : memref<128xi32, #tpu.memory_space<vmem>>, vector<16xi32>,
    %get3A_412 = arith.constant 80 : index
    %get3A_413 = tpu.vector_load %arg14[%get3A_412] {strides = array<i32>} : memref<128xi32, #tpu.memory_space<vmem>>, vector<16xi32>,
    %get3A_414 = vector.shape_cast %get3A_413 : vector<16xi32> to vector<16xi32>
    %ge3A_415 = arith.constant 53248 : i32
    %ge3A_416 = vector.broadcast %ge3A_415 : i32 to vector<16xi32>
    %ge3A_417 = arith.cmpi sge, %get3A_414, %ge3A_416 : vector<16xi32>
    %sub3A_418 = arith.constant 53248 : i32
    %sub3A_419 = vector.broadcast %sub3A_418 : i32 to vector<16xi32>
    %sub3A_420 = arith.subi %get3A_414, %sub3A_419 : vector<16xi32>
    %select_n3A_421 = arith.select %ge3A_417, %sub3A_420, %get3A_414 : vector<16xi1>, vector<16xi32>
    %swap3A_422 = arith.constant 80 : index
    %swap3A_423 = tpu.vector_load %arg18[%swap3A_422] {strides = array<i32>} : memref<128xi32, #tpu.memory_space<vmem>>, vector<16xi32>,
    %swap3A_424 = vector.shape_cast %swap3A_423 : vector<16xi32> to vector<16xi32>
    %swap3A_425 = vector.shape_cast %select_n3A_421 : vector<16xi32> to vector<16xi32>
    tpu.vector_store %arg18[%swap3A_422], %swap3A_425 {strides = array<i32>} : memref<128xi32, #tpu.memory_space<vmem>>, vector<16xi32>,
    %get3A_426 = arith.constant 96 : index
    %get3A_427 = tpu.vector_load %arg14[%get3A_426] {strides = array<i32>} : memref<128xi32, #tpu.memory_space<vmem>>, vector<16xi32>,
    %get3A_428 = vector.shape_cast %get3A_427 : vector<16xi32> to vector<16xi32>
    %ge3A_429 = arith.constant 53248 : i32
    %ge3A_430 = vector.broadcast %ge3A_429 : i32 to vector<16xi32>
    %ge3A_431 = arith.cmpi sge, %get3A_428, %ge3A_430 : vector<16xi32>
    %sub3A_432 = arith.constant 53248 : i32
    %sub3A_433 = vector.broadcast %sub3A_432 : i32 to vector<16xi32>
    %sub3A_434 = arith.subi %get3A_428, %sub3A_433 : vector<16xi32>
    %select_n3A_435 = arith.select %ge3A_431, %sub3A_434, %get3A_428 : vector<16xi1>, vector<16xi32>
    %swap3A_436 = arith.constant 96 : index
    %swap3A_437 = tpu.vector_load %arg18[%swap3A_436] {strides = array<i32>} : memref<128xi32, #tpu.memory_space<vmem>>, vector<16xi32>,
    %swap3A_438 = vector.shape_cast %swap3A_437 : vector<16xi32> to vector<16xi32>
    %swap3A_439 = vector.shape_cast %select_n3A_435 : vector<16xi32> to vector<16xi32>
    tpu.vector_store %arg18[%swap3A_436], %swap3A_439 {strides = array<i32>} : memref<128xi32, #tpu.memory_space<vmem>>, vector<16xi32>,
    %get3A_440 = arith.constant 112 : index
    %get3A_441 = tpu.vector_load %arg14[%get3A_440] {strides = array<i32>} : memref<128xi32, #tpu.memory_space<vmem>>, vector<16xi32>,
    %get3A_442 = vector.shape_cast %get3A_441 : vector<16xi32> to vector<16xi32>
    %ge3A_443 = arith.constant 53248 : i32
    %ge3A_444 = vector.broadcast %ge3A_443 : i32 to vector<16xi32>
    %ge3A_445 = arith.cmpi sge, %get3A_442, %ge3A_444 : vector<16xi32>
    %sub3A_446 = arith.constant 53248 : i32
    %sub3A_447 = vector.broadcast %sub3A_446 : i32 to vector<16xi32>
    %sub3A_448 = arith.subi %get3A_442, %sub3A_447 : vector<16xi32>
    %select_n3A_449 = arith.select %ge3A_445, %sub3A_448, %get3A_442 : vector<16xi1>, vector<16xi32>
    %swap3A_450 = arith.constant 112 : index
    %swap3A_451 = tpu.vector_load %arg18[%swap3A_450] {strides = array<i32>} : memref<128xi32, #tpu.memory_space<vmem>>, vector<16xi32>,
    %swap3A_452 = vector.shape_cast %swap3A_451 : vector<16xi32> to vector<16xi32>
    %swap3A_453 = vector.shape_cast %select_n3A_449 : vector<16xi32> to vector<16xi32>
    tpu.vector_store %arg18[%swap3A_450], %swap3A_453 {strides = array<i32>} : memref<128xi32, #tpu.memory_space<vmem>>, vector<16xi32>,
    %dma_start3A_454 = arith.constant 0 : i32
    %dma_start3A_455 = arith.constant 0 : i32
    %dma_start3A_456 = tpu.memref_slice %arg9[%dma_start3A_454, %dma_start3A_455] : memref<53248x128xi32, #tpu.memory_space<hbm>> -> memref<53248x128xi32, #tpu.memory_space<hbm>>
    tpu.enqueue_indirect_dma source(%dma_start3A_456 : memref<53248x128xi32, #tpu.memory_space<hbm>>) target(%arg22 : memref<128x128xi32, #tpu.memory_space<vmem>>) offsets(%arg18 : memref<128xi32, #tpu.memory_space<vmem>>) semaphore(%arg23 : memref<!tpu.dma_semaphore, #tpu.memory_space<semaphore_mem>>)
    %dma_wait3A = arith.constant 0 : i32
    %dma_wait3A_457 = arith.constant 0 : i32
    %dma_wait3A_458 = tpu.memref_slice %arg6[%dma_wait3A, %dma_wait3A_457] : memref<53248x128xi32, #tpu.memory_space<hbm>> -> memref<53248x128xi32, #tpu.memory_space<hbm>>
    tpu.wait_indirect_dma semaphore(%arg23 : memref<!tpu.dma_semaphore, #tpu.memory_space<semaphore_mem>>) src(%dma_wait3A_458 : memref<53248x128xi32, #tpu.memory_space<hbm>>) dst(%arg19 : memref<128x128xi32, #tpu.memory_space<vmem>>)
    "tpu.region"() ({
      %run_scoped3A = tpu.sem_alloc : memref<!tpu.dma_semaphore, #tpu.memory_space<semaphore_mem>>
      %dma_start3A_468 = arith.constant 0 : i32
      %dma_start3A_469 = tpu.memref_slice %arg10[%mul3A_2, %dma_start3A_468] : memref<4096x128xi32, #tpu.memory_space<hbm>> -> memref<128x128xi32, #tpu.memory_space<hbm>>
      %dma_start3A_470 = arith.constant 0 : i32
      %dma_start3A_471 = tpu.memref_slice %arg10[%mul3A_2, %dma_start3A_470] : memref<4096x128xi32, #tpu.memory_space<hbm>> -> memref<128x128xi32, #tpu.memory_space<hbm>>
      tpu.enqueue_dma source(%arg19 : memref<128x128xi32, #tpu.memory_space<vmem>>) target(%dma_start3A_471 : memref<128x128xi32, #tpu.memory_space<hbm>>) target_semaphore(%run_scoped3A : memref<!tpu.dma_semaphore, #tpu.memory_space<semaphore_mem>>)
      %dma_wait3A_472 = arith.constant 0 : i32
      %dma_wait3A_473 = tpu.memref_slice %arg10[%mul3A_2, %dma_wait3A_472] : memref<4096x128xi32, #tpu.memory_space<hbm>> -> memref<128x128xi32, #tpu.memory_space<hbm>>
      %dma_wait3A_474 = arith.constant 0 : i32
      %dma_wait3A_475 = tpu.memref_slice %arg10[%mul3A_2, %dma_wait3A_474] : memref<4096x128xi32, #tpu.memory_space<hbm>> -> memref<128x128xi32, #tpu.memory_space<hbm>>
      tpu.wait_dma2 semaphore(%run_scoped3A : memref<!tpu.dma_semaphore, #tpu.memory_space<semaphore_mem>>) src(%arg19 : memref<128x128xi32, #tpu.memory_space<vmem>>) dst(%dma_wait3A_475 : memref<128x128xi32, #tpu.memory_space<hbm>>)
      tpu.yield
    }) : () -> ()
    %dma_wait3A_459 = arith.constant 0 : i32
    %dma_wait3A_460 = arith.constant 0 : i32
    %dma_wait3A_461 = tpu.memref_slice %arg7[%dma_wait3A_459, %dma_wait3A_460] : memref<53248x128xi32, #tpu.memory_space<hbm>> -> memref<53248x128xi32, #tpu.memory_space<hbm>>
    tpu.wait_indirect_dma semaphore(%arg23 : memref<!tpu.dma_semaphore, #tpu.memory_space<semaphore_mem>>) src(%dma_wait3A_461 : memref<53248x128xi32, #tpu.memory_space<hbm>>) dst(%arg20 : memref<128x128xi32, #tpu.memory_space<vmem>>)
    "tpu.region"() ({
      %run_scoped3A = tpu.sem_alloc : memref<!tpu.dma_semaphore, #tpu.memory_space<semaphore_mem>>
      %dma_start3A_468 = arith.constant 0 : i32
      %dma_start3A_469 = tpu.memref_slice %arg11[%mul3A_2, %dma_start3A_468] : memref<4096x128xi32, #tpu.memory_space<hbm>> -> memref<128x128xi32, #tpu.memory_space<hbm>>
      %dma_start3A_470 = arith.constant 0 : i32
      %dma_start3A_471 = tpu.memref_slice %arg11[%mul3A_2, %dma_start3A_470] : memref<4096x128xi32, #tpu.memory_space<hbm>> -> memref<128x128xi32, #tpu.memory_space<hbm>>
      tpu.enqueue_dma source(%arg20 : memref<128x128xi32, #tpu.memory_space<vmem>>) target(%dma_start3A_471 : memref<128x128xi32, #tpu.memory_space<hbm>>) target_semaphore(%run_scoped3A : memref<!tpu.dma_semaphore, #tpu.memory_space<semaphore_mem>>)
      %dma_wait3A_472 = arith.constant 0 : i32
      %dma_wait3A_473 = tpu.memref_slice %arg11[%mul3A_2, %dma_wait3A_472] : memref<4096x128xi32, #tpu.memory_space<hbm>> -> memref<128x128xi32, #tpu.memory_space<hbm>>
      %dma_wait3A_474 = arith.constant 0 : i32
      %dma_wait3A_475 = tpu.memref_slice %arg11[%mul3A_2, %dma_wait3A_474] : memref<4096x128xi32, #tpu.memory_space<hbm>> -> memref<128x128xi32, #tpu.memory_space<hbm>>
      tpu.wait_dma2 semaphore(%run_scoped3A : memref<!tpu.dma_semaphore, #tpu.memory_space<semaphore_mem>>) src(%arg20 : memref<128x128xi32, #tpu.memory_space<vmem>>) dst(%dma_wait3A_475 : memref<128x128xi32, #tpu.memory_space<hbm>>)
      tpu.yield
    }) : () -> ()
    %dma_wait3A_462 = arith.constant 0 : i32
    %dma_wait3A_463 = arith.constant 0 : i32
    %dma_wait3A_464 = tpu.memref_slice %arg8[%dma_wait3A_462, %dma_wait3A_463] : memref<53248x128xi32, #tpu.memory_space<hbm>> -> memref<53248x128xi32, #tpu.memory_space<hbm>>
    tpu.wait_indirect_dma semaphore(%arg23 : memref<!tpu.dma_semaphore, #tpu.memory_space<semaphore_mem>>) src(%dma_wait3A_464 : memref<53248x128xi32, #tpu.memory_space<hbm>>) dst(%arg21 : memref<128x128xi32, #tpu.memory_space<vmem>>)
    "tpu.region"() ({
      %run_scoped3A = tpu.sem_alloc : memref<!tpu.dma_semaphore, #tpu.memory_space<semaphore_mem>>
      %dma_start3A_468 = arith.constant 0 : i32
      %dma_start3A_469 = tpu.memref_slice %arg12[%mul3A_2, %dma_start3A_468] : memref<4096x128xi32, #tpu.memory_space<hbm>> -> memref<128x128xi32, #tpu.memory_space<hbm>>
      %dma_start3A_470 = arith.constant 0 : i32
      %dma_start3A_471 = tpu.memref_slice %arg12[%mul3A_2, %dma_start3A_470] : memref<4096x128xi32, #tpu.memory_space<hbm>> -> memref<128x128xi32, #tpu.memory_space<hbm>>
      tpu.enqueue_dma source(%arg21 : memref<128x128xi32, #tpu.memory_space<vmem>>) target(%dma_start3A_471 : memref<128x128xi32, #tpu.memory_space<hbm>>) target_semaphore(%run_scoped3A : memref<!tpu.dma_semaphore, #tpu.memory_space<semaphore_mem>>)
      %dma_wait3A_472 = arith.constant 0 : i32
      %dma_wait3A_473 = tpu.memref_slice %arg12[%mul3A_2, %dma_wait3A_472] : memref<4096x128xi32, #tpu.memory_space<hbm>> -> memref<128x128xi32, #tpu.memory_space<hbm>>
      %dma_wait3A_474 = arith.constant 0 : i32
      %dma_wait3A_475 = tpu.memref_slice %arg12[%mul3A_2, %dma_wait3A_474] : memref<4096x128xi32, #tpu.memory_space<hbm>> -> memref<128x128xi32, #tpu.memory_space<hbm>>
      tpu.wait_dma2 semaphore(%run_scoped3A : memref<!tpu.dma_semaphore, #tpu.memory_space<semaphore_mem>>) src(%arg21 : memref<128x128xi32, #tpu.memory_space<vmem>>) dst(%dma_wait3A_475 : memref<128x128xi32, #tpu.memory_space<hbm>>)
      tpu.yield
    }) : () -> ()
    %dma_wait3A_465 = arith.constant 0 : i32
    %dma_wait3A_466 = arith.constant 0 : i32
    %dma_wait3A_467 = tpu.memref_slice %arg9[%dma_wait3A_465, %dma_wait3A_466] : memref<53248x128xi32, #tpu.memory_space<hbm>> -> memref<53248x128xi32, #tpu.memory_space<hbm>>
    tpu.wait_indirect_dma semaphore(%arg23 : memref<!tpu.dma_semaphore, #tpu.memory_space<semaphore_mem>>) src(%dma_wait3A_467 : memref<53248x128xi32, #tpu.memory_space<hbm>>) dst(%arg22 : memref<128x128xi32, #tpu.memory_space<vmem>>)
    "tpu.region"() ({
      %run_scoped3A = tpu.sem_alloc : memref<!tpu.dma_semaphore, #tpu.memory_space<semaphore_mem>>
      %dma_start3A_468 = arith.constant 0 : i32
      %dma_start3A_469 = tpu.memref_slice %arg13[%mul3A_2, %dma_start3A_468] : memref<4096x128xi32, #tpu.memory_space<hbm>> -> memref<128x128xi32, #tpu.memory_space<hbm>>
      %dma_start3A_470 = arith.constant 0 : i32
      %dma_start3A_471 = tpu.memref_slice %arg13[%mul3A_2, %dma_start3A_470] : memref<4096x128xi32, #tpu.memory_space<hbm>> -> memref<128x128xi32, #tpu.memory_space<hbm>>
      tpu.enqueue_dma source(%arg22 : memref<128x128xi32, #tpu.memory_space<vmem>>) target(%dma_start3A_471 : memref<128x128xi32, #tpu.memory_space<hbm>>) target_semaphore(%run_scoped3A : memref<!tpu.dma_semaphore, #tpu.memory_space<semaphore_mem>>)
      %dma_wait3A_472 = arith.constant 0 : i32
      %dma_wait3A_473 = tpu.memref_slice %arg13[%mul3A_2, %dma_wait3A_472] : memref<4096x128xi32, #tpu.memory_space<hbm>> -> memref<128x128xi32, #tpu.memory_space<hbm>>
      %dma_wait3A_474 = arith.constant 0 : i32
      %dma_wait3A_475 = tpu.memref_slice %arg13[%mul3A_2, %dma_wait3A_474] : memref<4096x128xi32, #tpu.memory_space<hbm>> -> memref<128x128xi32, #tpu.memory_space<hbm>>
      tpu.wait_dma2 semaphore(%run_scoped3A : memref<!tpu.dma_semaphore, #tpu.memory_space<semaphore_mem>>) src(%arg22 : memref<128x128xi32, #tpu.memory_space<vmem>>) dst(%dma_wait3A_475 : memref<128x128xi32, #tpu.memory_space<hbm>>)
      tpu.yield
    }) : () -> ()
    return
  }
}

module attributes {stable_mosaic.version = 14 : i64} {
  func.func @_sum_body(%arg0: i32, %arg1: memref<1024x128xi32, #tpu.memory_space<vmem>>, %arg2: memref<1024x128xi32, #tpu.memory_space<vmem>>, %arg3: memref<1024x128xi32, #tpu.memory_space<vmem>>, %arg4: memref<1024x128xi32, #tpu.memory_space<vmem>>, %arg5: memref<1024x1xi32, #tpu.memory_space<vmem>>, %arg6: memref<1024x1xi32, #tpu.memory_space<vmem>>, %arg7: memref<1024x1xi32, #tpu.memory_space<vmem>>, %arg8: memref<1024x1xi32, #tpu.memory_space<vmem>>, %arg9: memref<1x128xf32, #tpu.memory_space<vmem>>, %arg10: memref<1024x128xf32, #tpu.memory_space<vmem>>) attributes {dimension_semantics = [#tpu.dimension_semantics<arbitrary>], iteration_bounds = array<i64: 4>, scalar_prefetch = 0 : i64, scratch_operands = 0 : i64, tpu.core_type = #tpu.core_type<tc>, window_params = [{transform_indices = @transform_0, window_bounds = array<i64: 1024, 128>}, {transform_indices = @transform_1, window_bounds = array<i64: 1024, 128>}, {transform_indices = @transform_2, window_bounds = array<i64: 1024, 128>}, {transform_indices = @transform_3, window_bounds = array<i64: 1024, 128>}, {transform_indices = @transform_4, window_bounds = array<i64: 1024, 1>}, {transform_indices = @transform_5, window_bounds = array<i64: 1024, 1>}, {transform_indices = @transform_6, window_bounds = array<i64: 1024, 1>}, {transform_indices = @transform_7, window_bounds = array<i64: 1024, 1>}, {pipeline_mode = #tpu.pipeline_mode<synchronous>, transform_indices = @transform_8, window_bounds = array<i64: 1, 128>}, {transform_indices = @transform_9, window_bounds = array<i64: 1024, 128>}]} {
    %get3A = arith.constant 0 : index
    %get3A_0 = arith.constant 0 : index
    %get3A_1 = vector.load %arg9[%get3A, %get3A_0] : memref<1x128xf32, #tpu.memory_space<vmem>>, vector<1x128xf32>
    %broadcast_in_dim3A = arith.constant 0.000000e+00 : f32
    %broadcast_in_dim3A_2 = vector.broadcast %broadcast_in_dim3A : f32 to vector<1024x128xf32>
    %add3A = vector.broadcast %get3A_1 : vector<1x128xf32> to vector<1024x128xf32>
    %add3A_3 = arith.addf %add3A, %broadcast_in_dim3A_2 : vector<1024x128xf32>
    %get3A_4 = arith.constant 0 : index
    %get3A_5 = arith.constant 0 : index
    %get3A_6 = vector.load %arg5[%get3A_4, %get3A_5] : memref<1024x1xi32, #tpu.memory_space<vmem>>, vector<1024x1xi32>
    %lt3A = arith.constant 53248 : i32
    %lt3A_7 = vector.broadcast %lt3A : i32 to vector<1024x1xi32>
    %lt3A_8 = arith.cmpi slt, %get3A_6, %lt3A_7 : vector<1024x1xi32>
    %get3A_9 = arith.constant 0 : index
    %get3A_10 = arith.constant 0 : index
    %get3A_11 = vector.load %arg1[%get3A_9, %get3A_10] : memref<1024x128xi32, #tpu.memory_space<vmem>>, vector<1024x128xi32>
    %bitcast_convert_type3A = tpu.bitcast %get3A_11 : vector<1024x128xi32> -> vector<1024x128xi32>
    %and3A = arith.constant 65535 : i32
    %and3A_12 = vector.broadcast %and3A : i32 to vector<1024x128xi32>
    %and3A_13 = arith.andi %bitcast_convert_type3A, %and3A_12 : vector<1024x128xi32>
    %shift_right_logical3A = arith.constant 16 : i32
    %shift_right_logical3A_14 = vector.broadcast %shift_right_logical3A : i32 to vector<1024x128xi32>
    %shift_right_logical3A_15 = arith.shrui %bitcast_convert_type3A, %shift_right_logical3A_14 : vector<1024x128xi32>
    %broadcast_in_dim3A_16 = vector.shape_cast %lt3A_8 : vector<1024x1xi1> to vector<1024x1xi1>
    %broadcast_in_dim3A_17 = vector.broadcast %broadcast_in_dim3A_16 : vector<1024x1xi1> to vector<1024x128xi1>
    %select_n3A = arith.select %broadcast_in_dim3A_17, %and3A_13, %shift_right_logical3A_15 : vector<1024x128xi1>, vector<1024x128xi32>
    %convert_element_type3A = arith.trunci %select_n3A : vector<1024x128xi32> to vector<1024x128xi16>
    %bitcast_convert_type3A_18 = tpu.bitcast %convert_element_type3A : vector<1024x128xi16> -> vector<1024x128xbf16>
    %convert_element_type3A_19 = arith.extf %bitcast_convert_type3A_18 : vector<1024x128xbf16> to vector<1024x128xf32>
    %add3A_20 = arith.addf %add3A_3, %convert_element_type3A_19 : vector<1024x128xf32>
    %get3A_21 = arith.constant 0 : index
    %get3A_22 = arith.constant 0 : index
    %get3A_23 = vector.load %arg6[%get3A_21, %get3A_22] : memref<1024x1xi32, #tpu.memory_space<vmem>>, vector<1024x1xi32>
    %lt3A_24 = arith.constant 53248 : i32
    %lt3A_25 = vector.broadcast %lt3A_24 : i32 to vector<1024x1xi32>
    %lt3A_26 = arith.cmpi slt, %get3A_23, %lt3A_25 : vector<1024x1xi32>
    %get3A_27 = arith.constant 0 : index
    %get3A_28 = arith.constant 0 : index
    %get3A_29 = vector.load %arg2[%get3A_27, %get3A_28] : memref<1024x128xi32, #tpu.memory_space<vmem>>, vector<1024x128xi32>
    %bitcast_convert_type3A_30 = tpu.bitcast %get3A_29 : vector<1024x128xi32> -> vector<1024x128xi32>
    %and3A_31 = arith.constant 65535 : i32
    %and3A_32 = vector.broadcast %and3A_31 : i32 to vector<1024x128xi32>
    %and3A_33 = arith.andi %bitcast_convert_type3A_30, %and3A_32 : vector<1024x128xi32>
    %shift_right_logical3A_34 = arith.constant 16 : i32
    %shift_right_logical3A_35 = vector.broadcast %shift_right_logical3A_34 : i32 to vector<1024x128xi32>
    %shift_right_logical3A_36 = arith.shrui %bitcast_convert_type3A_30, %shift_right_logical3A_35 : vector<1024x128xi32>
    %broadcast_in_dim3A_37 = vector.shape_cast %lt3A_26 : vector<1024x1xi1> to vector<1024x1xi1>
    %broadcast_in_dim3A_38 = vector.broadcast %broadcast_in_dim3A_37 : vector<1024x1xi1> to vector<1024x128xi1>
    %select_n3A_39 = arith.select %broadcast_in_dim3A_38, %and3A_33, %shift_right_logical3A_36 : vector<1024x128xi1>, vector<1024x128xi32>
    %convert_element_type3A_40 = arith.trunci %select_n3A_39 : vector<1024x128xi32> to vector<1024x128xi16>
    %bitcast_convert_type3A_41 = tpu.bitcast %convert_element_type3A_40 : vector<1024x128xi16> -> vector<1024x128xbf16>
    %convert_element_type3A_42 = arith.extf %bitcast_convert_type3A_41 : vector<1024x128xbf16> to vector<1024x128xf32>
    %add3A_43 = arith.addf %add3A_20, %convert_element_type3A_42 : vector<1024x128xf32>
    %get3A_44 = arith.constant 0 : index
    %get3A_45 = arith.constant 0 : index
    %get3A_46 = vector.load %arg7[%get3A_44, %get3A_45] : memref<1024x1xi32, #tpu.memory_space<vmem>>, vector<1024x1xi32>
    %lt3A_47 = arith.constant 53248 : i32
    %lt3A_48 = vector.broadcast %lt3A_47 : i32 to vector<1024x1xi32>
    %lt3A_49 = arith.cmpi slt, %get3A_46, %lt3A_48 : vector<1024x1xi32>
    %get3A_50 = arith.constant 0 : index
    %get3A_51 = arith.constant 0 : index
    %get3A_52 = vector.load %arg3[%get3A_50, %get3A_51] : memref<1024x128xi32, #tpu.memory_space<vmem>>, vector<1024x128xi32>
    %bitcast_convert_type3A_53 = tpu.bitcast %get3A_52 : vector<1024x128xi32> -> vector<1024x128xi32>
    %and3A_54 = arith.constant 65535 : i32
    %and3A_55 = vector.broadcast %and3A_54 : i32 to vector<1024x128xi32>
    %and3A_56 = arith.andi %bitcast_convert_type3A_53, %and3A_55 : vector<1024x128xi32>
    %shift_right_logical3A_57 = arith.constant 16 : i32
    %shift_right_logical3A_58 = vector.broadcast %shift_right_logical3A_57 : i32 to vector<1024x128xi32>
    %shift_right_logical3A_59 = arith.shrui %bitcast_convert_type3A_53, %shift_right_logical3A_58 : vector<1024x128xi32>
    %broadcast_in_dim3A_60 = vector.shape_cast %lt3A_49 : vector<1024x1xi1> to vector<1024x1xi1>
    %broadcast_in_dim3A_61 = vector.broadcast %broadcast_in_dim3A_60 : vector<1024x1xi1> to vector<1024x128xi1>
    %select_n3A_62 = arith.select %broadcast_in_dim3A_61, %and3A_56, %shift_right_logical3A_59 : vector<1024x128xi1>, vector<1024x128xi32>
    %convert_element_type3A_63 = arith.trunci %select_n3A_62 : vector<1024x128xi32> to vector<1024x128xi16>
    %bitcast_convert_type3A_64 = tpu.bitcast %convert_element_type3A_63 : vector<1024x128xi16> -> vector<1024x128xbf16>
    %convert_element_type3A_65 = arith.extf %bitcast_convert_type3A_64 : vector<1024x128xbf16> to vector<1024x128xf32>
    %add3A_66 = arith.addf %add3A_43, %convert_element_type3A_65 : vector<1024x128xf32>
    %get3A_67 = arith.constant 0 : index
    %get3A_68 = arith.constant 0 : index
    %get3A_69 = vector.load %arg8[%get3A_67, %get3A_68] : memref<1024x1xi32, #tpu.memory_space<vmem>>, vector<1024x1xi32>
    %lt3A_70 = arith.constant 53248 : i32
    %lt3A_71 = vector.broadcast %lt3A_70 : i32 to vector<1024x1xi32>
    %lt3A_72 = arith.cmpi slt, %get3A_69, %lt3A_71 : vector<1024x1xi32>
    %get3A_73 = arith.constant 0 : index
    %get3A_74 = arith.constant 0 : index
    %get3A_75 = vector.load %arg4[%get3A_73, %get3A_74] : memref<1024x128xi32, #tpu.memory_space<vmem>>, vector<1024x128xi32>
    %bitcast_convert_type3A_76 = tpu.bitcast %get3A_75 : vector<1024x128xi32> -> vector<1024x128xi32>
    %and3A_77 = arith.constant 65535 : i32
    %and3A_78 = vector.broadcast %and3A_77 : i32 to vector<1024x128xi32>
    %and3A_79 = arith.andi %bitcast_convert_type3A_76, %and3A_78 : vector<1024x128xi32>
    %shift_right_logical3A_80 = arith.constant 16 : i32
    %shift_right_logical3A_81 = vector.broadcast %shift_right_logical3A_80 : i32 to vector<1024x128xi32>
    %shift_right_logical3A_82 = arith.shrui %bitcast_convert_type3A_76, %shift_right_logical3A_81 : vector<1024x128xi32>
    %broadcast_in_dim3A_83 = vector.shape_cast %lt3A_72 : vector<1024x1xi1> to vector<1024x1xi1>
    %broadcast_in_dim3A_84 = vector.broadcast %broadcast_in_dim3A_83 : vector<1024x1xi1> to vector<1024x128xi1>
    %select_n3A_85 = arith.select %broadcast_in_dim3A_84, %and3A_79, %shift_right_logical3A_82 : vector<1024x128xi1>, vector<1024x128xi32>
    %convert_element_type3A_86 = arith.trunci %select_n3A_85 : vector<1024x128xi32> to vector<1024x128xi16>
    %bitcast_convert_type3A_87 = tpu.bitcast %convert_element_type3A_86 : vector<1024x128xi16> -> vector<1024x128xbf16>
    %convert_element_type3A_88 = arith.extf %bitcast_convert_type3A_87 : vector<1024x128xbf16> to vector<1024x128xf32>
    %add3A_89 = arith.addf %add3A_66, %convert_element_type3A_88 : vector<1024x128xf32>
    %swap3A = arith.constant 0 : index
    %swap3A_90 = arith.constant 0 : index
    %swap3A_91 = vector.load %arg10[%swap3A, %swap3A_90] : memref<1024x128xf32, #tpu.memory_space<vmem>>, vector<1024x128xf32>
    tpu.vector_store %arg10[%swap3A, %swap3A_90], %add3A_89 {strides = array<i32>} : memref<1024x128xf32, #tpu.memory_space<vmem>>, vector<1024x128xf32>,
    return
  }
  func.func @transform_0(%arg0: i32) -> (i32, i32) {
    %c0_i32 = arith.constant 0 : i32
    %c0_i32_0 = arith.constant 0 : i32
    return %arg0, %c0_i32 : i32, i32
  }
  func.func @transform_1(%arg0: i32) -> (i32, i32) {
    %c0_i32 = arith.constant 0 : i32
    %c0_i32_0 = arith.constant 0 : i32
    return %arg0, %c0_i32 : i32, i32
  }
  func.func @transform_2(%arg0: i32) -> (i32, i32) {
    %c0_i32 = arith.constant 0 : i32
    %c0_i32_0 = arith.constant 0 : i32
    return %arg0, %c0_i32 : i32, i32
  }
  func.func @transform_3(%arg0: i32) -> (i32, i32) {
    %c0_i32 = arith.constant 0 : i32
    %c0_i32_0 = arith.constant 0 : i32
    return %arg0, %c0_i32 : i32, i32
  }
  func.func @transform_4(%arg0: i32) -> (i32, i32) {
    %c0_i32 = arith.constant 0 : i32
    %c0_i32_0 = arith.constant 0 : i32
    return %arg0, %c0_i32 : i32, i32
  }
  func.func @transform_5(%arg0: i32) -> (i32, i32) {
    %c0_i32 = arith.constant 0 : i32
    %c0_i32_0 = arith.constant 0 : i32
    return %arg0, %c0_i32 : i32, i32
  }
  func.func @transform_6(%arg0: i32) -> (i32, i32) {
    %c0_i32 = arith.constant 0 : i32
    %c0_i32_0 = arith.constant 0 : i32
    return %arg0, %c0_i32 : i32, i32
  }
  func.func @transform_7(%arg0: i32) -> (i32, i32) {
    %c0_i32 = arith.constant 0 : i32
    %c0_i32_0 = arith.constant 0 : i32
    return %arg0, %c0_i32 : i32, i32
  }
  func.func @transform_8(%arg0: i32) -> (i32, i32) {
    %c0_i32 = arith.constant 0 : i32
    %c0_i32_0 = arith.constant 0 : i32
    %c0_i32_1 = arith.constant 0 : i32
    return %c0_i32, %c0_i32_0 : i32, i32
  }
  func.func @transform_9(%arg0: i32) -> (i32, i32) {
    %c0_i32 = arith.constant 0 : i32
    %c0_i32_0 = arith.constant 0 : i32
    return %arg0, %c0_i32 : i32, i32
  }
}

module attributes {stable_mosaic.version = 14 : i64} {
  func.func @_proj_body(%arg0: i32, %arg1: memref<64x4096xf32, #tpu.memory_space<vmem>>, %arg2: memref<64x4096xf32, #tpu.memory_space<vmem>>, %arg3: memref<64x4096xf32, #tpu.memory_space<vmem>>, %arg4: memref<64x4096xf32, #tpu.memory_space<vmem>>, %arg5: memref<64x4096xf32, #tpu.memory_space<vmem>>, %arg6: memref<64x4096xf32, #tpu.memory_space<vmem>>, %arg7: memref<64x4096xf32, #tpu.memory_space<vmem>>, %arg8: memref<64x4096xf32, #tpu.memory_space<vmem>>, %arg9: memref<256x128xf32, #tpu.memory_space<vmem>>, %arg10: memref<4096x128xi32, #tpu.memory_space<vmem>>, %arg11: memref<4096x128xi32, #tpu.memory_space<vmem>>, %arg12: memref<4096x128xi32, #tpu.memory_space<vmem>>, %arg13: memref<4096x128xi32, #tpu.memory_space<vmem>>) attributes {dimension_semantics = [#tpu.dimension_semantics<arbitrary>], iteration_bounds = array<i64: 13>, scalar_prefetch = 0 : i64, scratch_operands = 0 : i64, tpu.core_type = #tpu.core_type<tc>, window_params = [{transform_indices = @transform_0, window_bounds = array<i64: 64, 4096>}, {transform_indices = @transform_1, window_bounds = array<i64: 64, 4096>}, {transform_indices = @transform_2, window_bounds = array<i64: 64, 4096>}, {transform_indices = @transform_3, window_bounds = array<i64: 64, 4096>}, {transform_indices = @transform_4, window_bounds = array<i64: 64, 4096>}, {transform_indices = @transform_5, window_bounds = array<i64: 64, 4096>}, {transform_indices = @transform_6, window_bounds = array<i64: 64, 4096>}, {transform_indices = @transform_7, window_bounds = array<i64: 64, 4096>}, {pipeline_mode = #tpu.pipeline_mode<synchronous>, transform_indices = @transform_8, window_bounds = array<i64: 256, 128>}, {transform_indices = @transform_9, window_bounds = array<i64: 4096, 128>}, {transform_indices = @transform_10, window_bounds = array<i64: 4096, 128>}, {transform_indices = @transform_11, window_bounds = array<i64: 4096, 128>}, {transform_indices = @transform_12, window_bounds = array<i64: 4096, 128>}]} {
    %get3A = arith.constant 0 : index
    %get3A_0 = arith.constant 0 : index
    %get3A_1 = vector.load %arg9[%get3A, %get3A_0] : memref<256x128xf32, #tpu.memory_space<vmem>>, vector<64x128xf32>
    %convert_element_type3A = arith.truncf %get3A_1 : vector<64x128xf32> to vector<64x128xbf16>
    %get3A_2 = arith.constant 0 : index
    %get3A_3 = arith.constant 0 : index
    %get3A_4 = vector.load %arg1[%get3A_2, %get3A_3] : memref<64x4096xf32, #tpu.memory_space<vmem>>, vector<64x4096xf32>
    %convert_element_type3A_5 = arith.truncf %get3A_4 : vector<64x4096xf32> to vector<64x4096xbf16>
    %dot_general3A = arith.constant dense<0.000000e+00> : vector<4096x128xf32>
    %dot_general3A_6 = tpu.matmul %convert_element_type3A_5, %convert_element_type3A, %dot_general3A {dimension_numbers = #tpu.dot_dimension_numbers<[0], [0], [1], [1], [0, 1, 1, 1], [], []>, transpose_lhs_hint = false} : vector<64x4096xbf16>, vector<64x128xbf16>, vector<4096x128xf32> -> vector<4096x128xf32>
    %get3A_7 = arith.constant 0 : index
    %get3A_8 = arith.constant 0 : index
    %get3A_9 = vector.load %arg2[%get3A_7, %get3A_8] : memref<64x4096xf32, #tpu.memory_space<vmem>>, vector<64x4096xf32>
    %convert_element_type3A_10 = arith.truncf %get3A_9 : vector<64x4096xf32> to vector<64x4096xbf16>
    %dot_general3A_11 = arith.constant dense<0.000000e+00> : vector<4096x128xf32>
    %dot_general3A_12 = tpu.matmul %convert_element_type3A_10, %convert_element_type3A, %dot_general3A_11 {dimension_numbers = #tpu.dot_dimension_numbers<[0], [0], [1], [1], [0, 1, 1, 1], [], []>, transpose_lhs_hint = false} : vector<64x4096xbf16>, vector<64x128xbf16>, vector<4096x128xf32> -> vector<4096x128xf32>
    %convert_element_type3A_13 = arith.truncf %dot_general3A_6 : vector<4096x128xf32> to vector<4096x128xbf16>
    %bitcast_convert_type3A = tpu.bitcast %convert_element_type3A_13 : vector<4096x128xbf16> -> vector<4096x128xi16>
    %convert_element_type3A_14 = arith.truncf %dot_general3A_12 : vector<4096x128xf32> to vector<4096x128xbf16>
    %bitcast_convert_type3A_15 = tpu.bitcast %convert_element_type3A_14 : vector<4096x128xbf16> -> vector<4096x128xi16>
    %convert_element_type3A_16 = arith.extui %bitcast_convert_type3A_15 : vector<4096x128xi16> to vector<4096x128xi32>
    %shift_left3A = arith.constant 16 : i32
    %shift_left3A_17 = vector.broadcast %shift_left3A : i32 to vector<4096x128xi32>
    %shift_left3A_18 = arith.shli %convert_element_type3A_16, %shift_left3A_17 : vector<4096x128xi32>
    %convert_element_type3A_19 = arith.extui %bitcast_convert_type3A : vector<4096x128xi16> to vector<4096x128xi32>
    %or3A = arith.ori %shift_left3A_18, %convert_element_type3A_19 : vector<4096x128xi32>
    %bitcast_convert_type3A_20 = tpu.bitcast %or3A : vector<4096x128xi32> -> vector<4096x128xi32>
    %swap3A = arith.constant 0 : index
    %swap3A_21 = arith.constant 0 : index
    %swap3A_22 = vector.load %arg10[%swap3A, %swap3A_21] : memref<4096x128xi32, #tpu.memory_space<vmem>>, vector<4096x128xi32>
    tpu.vector_store %arg10[%swap3A, %swap3A_21], %bitcast_convert_type3A_20 {strides = array<i32>} : memref<4096x128xi32, #tpu.memory_space<vmem>>, vector<4096x128xi32>,
    %get3A_23 = arith.constant 64 : index
    %get3A_24 = arith.constant 0 : index
    %get3A_25 = vector.load %arg9[%get3A_23, %get3A_24] : memref<256x128xf32, #tpu.memory_space<vmem>>, vector<64x128xf32>
    %convert_element_type3A_26 = arith.truncf %get3A_25 : vector<64x128xf32> to vector<64x128xbf16>
    %get3A_27 = arith.constant 0 : index
    %get3A_28 = arith.constant 0 : index
    %get3A_29 = vector.load %arg3[%get3A_27, %get3A_28] : memref<64x4096xf32, #tpu.memory_space<vmem>>, vector<64x4096xf32>
    %convert_element_type3A_30 = arith.truncf %get3A_29 : vector<64x4096xf32> to vector<64x4096xbf16>
    %dot_general3A_31 = arith.constant dense<0.000000e+00> : vector<4096x128xf32>
    %dot_general3A_32 = tpu.matmul %convert_element_type3A_30, %convert_element_type3A_26, %dot_general3A_31 {dimension_numbers = #tpu.dot_dimension_numbers<[0], [0], [1], [1], [0, 1, 1, 1], [], []>, transpose_lhs_hint = false} : vector<64x4096xbf16>, vector<64x128xbf16>, vector<4096x128xf32> -> vector<4096x128xf32>
    %get3A_33 = arith.constant 0 : index
    %get3A_34 = arith.constant 0 : index
    %get3A_35 = vector.load %arg4[%get3A_33, %get3A_34] : memref<64x4096xf32, #tpu.memory_space<vmem>>, vector<64x4096xf32>
    %convert_element_type3A_36 = arith.truncf %get3A_35 : vector<64x4096xf32> to vector<64x4096xbf16>
    %dot_general3A_37 = arith.constant dense<0.000000e+00> : vector<4096x128xf32>
    %dot_general3A_38 = tpu.matmul %convert_element_type3A_36, %convert_element_type3A_26, %dot_general3A_37 {dimension_numbers = #tpu.dot_dimension_numbers<[0], [0], [1], [1], [0, 1, 1, 1], [], []>, transpose_lhs_hint = false} : vector<64x4096xbf16>, vector<64x128xbf16>, vector<4096x128xf32> -> vector<4096x128xf32>
    %convert_element_type3A_39 = arith.truncf %dot_general3A_32 : vector<4096x128xf32> to vector<4096x128xbf16>
    %bitcast_convert_type3A_40 = tpu.bitcast %convert_element_type3A_39 : vector<4096x128xbf16> -> vector<4096x128xi16>
    %convert_element_type3A_41 = arith.truncf %dot_general3A_38 : vector<4096x128xf32> to vector<4096x128xbf16>
    %bitcast_convert_type3A_42 = tpu.bitcast %convert_element_type3A_41 : vector<4096x128xbf16> -> vector<4096x128xi16>
    %convert_element_type3A_43 = arith.extui %bitcast_convert_type3A_42 : vector<4096x128xi16> to vector<4096x128xi32>
    %shift_left3A_44 = arith.constant 16 : i32
    %shift_left3A_45 = vector.broadcast %shift_left3A_44 : i32 to vector<4096x128xi32>
    %shift_left3A_46 = arith.shli %convert_element_type3A_43, %shift_left3A_45 : vector<4096x128xi32>
    %convert_element_type3A_47 = arith.extui %bitcast_convert_type3A_40 : vector<4096x128xi16> to vector<4096x128xi32>
    %or3A_48 = arith.ori %shift_left3A_46, %convert_element_type3A_47 : vector<4096x128xi32>
    %bitcast_convert_type3A_49 = tpu.bitcast %or3A_48 : vector<4096x128xi32> -> vector<4096x128xi32>
    %swap3A_50 = arith.constant 0 : index
    %swap3A_51 = arith.constant 0 : index
    %swap3A_52 = vector.load %arg11[%swap3A_50, %swap3A_51] : memref<4096x128xi32, #tpu.memory_space<vmem>>, vector<4096x128xi32>
    tpu.vector_store %arg11[%swap3A_50, %swap3A_51], %bitcast_convert_type3A_49 {strides = array<i32>} : memref<4096x128xi32, #tpu.memory_space<vmem>>, vector<4096x128xi32>,
    %get3A_53 = arith.constant 128 : index
    %get3A_54 = arith.constant 0 : index
    %get3A_55 = vector.load %arg9[%get3A_53, %get3A_54] : memref<256x128xf32, #tpu.memory_space<vmem>>, vector<64x128xf32>
    %convert_element_type3A_56 = arith.truncf %get3A_55 : vector<64x128xf32> to vector<64x128xbf16>
    %get3A_57 = arith.constant 0 : index
    %get3A_58 = arith.constant 0 : index
    %get3A_59 = vector.load %arg5[%get3A_57, %get3A_58] : memref<64x4096xf32, #tpu.memory_space<vmem>>, vector<64x4096xf32>
    %convert_element_type3A_60 = arith.truncf %get3A_59 : vector<64x4096xf32> to vector<64x4096xbf16>
    %dot_general3A_61 = arith.constant dense<0.000000e+00> : vector<4096x128xf32>
    %dot_general3A_62 = tpu.matmul %convert_element_type3A_60, %convert_element_type3A_56, %dot_general3A_61 {dimension_numbers = #tpu.dot_dimension_numbers<[0], [0], [1], [1], [0, 1, 1, 1], [], []>, transpose_lhs_hint = false} : vector<64x4096xbf16>, vector<64x128xbf16>, vector<4096x128xf32> -> vector<4096x128xf32>
    %get3A_63 = arith.constant 0 : index
    %get3A_64 = arith.constant 0 : index
    %get3A_65 = vector.load %arg6[%get3A_63, %get3A_64] : memref<64x4096xf32, #tpu.memory_space<vmem>>, vector<64x4096xf32>
    %convert_element_type3A_66 = arith.truncf %get3A_65 : vector<64x4096xf32> to vector<64x4096xbf16>
    %dot_general3A_67 = arith.constant dense<0.000000e+00> : vector<4096x128xf32>
    %dot_general3A_68 = tpu.matmul %convert_element_type3A_66, %convert_element_type3A_56, %dot_general3A_67 {dimension_numbers = #tpu.dot_dimension_numbers<[0], [0], [1], [1], [0, 1, 1, 1], [], []>, transpose_lhs_hint = false} : vector<64x4096xbf16>, vector<64x128xbf16>, vector<4096x128xf32> -> vector<4096x128xf32>
    %convert_element_type3A_69 = arith.truncf %dot_general3A_62 : vector<4096x128xf32> to vector<4096x128xbf16>
    %bitcast_convert_type3A_70 = tpu.bitcast %convert_element_type3A_69 : vector<4096x128xbf16> -> vector<4096x128xi16>
    %convert_element_type3A_71 = arith.truncf %dot_general3A_68 : vector<4096x128xf32> to vector<4096x128xbf16>
    %bitcast_convert_type3A_72 = tpu.bitcast %convert_element_type3A_71 : vector<4096x128xbf16> -> vector<4096x128xi16>
    %convert_element_type3A_73 = arith.extui %bitcast_convert_type3A_72 : vector<4096x128xi16> to vector<4096x128xi32>
    %shift_left3A_74 = arith.constant 16 : i32
    %shift_left3A_75 = vector.broadcast %shift_left3A_74 : i32 to vector<4096x128xi32>
    %shift_left3A_76 = arith.shli %convert_element_type3A_73, %shift_left3A_75 : vector<4096x128xi32>
    %convert_element_type3A_77 = arith.extui %bitcast_convert_type3A_70 : vector<4096x128xi16> to vector<4096x128xi32>
    %or3A_78 = arith.ori %shift_left3A_76, %convert_element_type3A_77 : vector<4096x128xi32>
    %bitcast_convert_type3A_79 = tpu.bitcast %or3A_78 : vector<4096x128xi32> -> vector<4096x128xi32>
    %swap3A_80 = arith.constant 0 : index
    %swap3A_81 = arith.constant 0 : index
    %swap3A_82 = vector.load %arg12[%swap3A_80, %swap3A_81] : memref<4096x128xi32, #tpu.memory_space<vmem>>, vector<4096x128xi32>
    tpu.vector_store %arg12[%swap3A_80, %swap3A_81], %bitcast_convert_type3A_79 {strides = array<i32>} : memref<4096x128xi32, #tpu.memory_space<vmem>>, vector<4096x128xi32>,
    %get3A_83 = arith.constant 192 : index
    %get3A_84 = arith.constant 0 : index
    %get3A_85 = vector.load %arg9[%get3A_83, %get3A_84] : memref<256x128xf32, #tpu.memory_space<vmem>>, vector<64x128xf32>
    %convert_element_type3A_86 = arith.truncf %get3A_85 : vector<64x128xf32> to vector<64x128xbf16>
    %get3A_87 = arith.constant 0 : index
    %get3A_88 = arith.constant 0 : index
    %get3A_89 = vector.load %arg7[%get3A_87, %get3A_88] : memref<64x4096xf32, #tpu.memory_space<vmem>>, vector<64x4096xf32>
    %convert_element_type3A_90 = arith.truncf %get3A_89 : vector<64x4096xf32> to vector<64x4096xbf16>
    %dot_general3A_91 = arith.constant dense<0.000000e+00> : vector<4096x128xf32>
    %dot_general3A_92 = tpu.matmul %convert_element_type3A_90, %convert_element_type3A_86, %dot_general3A_91 {dimension_numbers = #tpu.dot_dimension_numbers<[0], [0], [1], [1], [0, 1, 1, 1], [], []>, transpose_lhs_hint = false} : vector<64x4096xbf16>, vector<64x128xbf16>, vector<4096x128xf32> -> vector<4096x128xf32>
    %get3A_93 = arith.constant 0 : index
    %get3A_94 = arith.constant 0 : index
    %get3A_95 = vector.load %arg8[%get3A_93, %get3A_94] : memref<64x4096xf32, #tpu.memory_space<vmem>>, vector<64x4096xf32>
    %convert_element_type3A_96 = arith.truncf %get3A_95 : vector<64x4096xf32> to vector<64x4096xbf16>
    %dot_general3A_97 = arith.constant dense<0.000000e+00> : vector<4096x128xf32>
    %dot_general3A_98 = tpu.matmul %convert_element_type3A_96, %convert_element_type3A_86, %dot_general3A_97 {dimension_numbers = #tpu.dot_dimension_numbers<[0], [0], [1], [1], [0, 1, 1, 1], [], []>, transpose_lhs_hint = false} : vector<64x4096xbf16>, vector<64x128xbf16>, vector<4096x128xf32> -> vector<4096x128xf32>
    %convert_element_type3A_99 = arith.truncf %dot_general3A_92 : vector<4096x128xf32> to vector<4096x128xbf16>
    %bitcast_convert_type3A_100 = tpu.bitcast %convert_element_type3A_99 : vector<4096x128xbf16> -> vector<4096x128xi16>
    %convert_element_type3A_101 = arith.truncf %dot_general3A_98 : vector<4096x128xf32> to vector<4096x128xbf16>
    %bitcast_convert_type3A_102 = tpu.bitcast %convert_element_type3A_101 : vector<4096x128xbf16> -> vector<4096x128xi16>
    %convert_element_type3A_103 = arith.extui %bitcast_convert_type3A_102 : vector<4096x128xi16> to vector<4096x128xi32>
    %shift_left3A_104 = arith.constant 16 : i32
    %shift_left3A_105 = vector.broadcast %shift_left3A_104 : i32 to vector<4096x128xi32>
    %shift_left3A_106 = arith.shli %convert_element_type3A_103, %shift_left3A_105 : vector<4096x128xi32>
    %convert_element_type3A_107 = arith.extui %bitcast_convert_type3A_100 : vector<4096x128xi16> to vector<4096x128xi32>
    %or3A_108 = arith.ori %shift_left3A_106, %convert_element_type3A_107 : vector<4096x128xi32>
    %bitcast_convert_type3A_109 = tpu.bitcast %or3A_108 : vector<4096x128xi32> -> vector<4096x128xi32>
    %swap3A_110 = arith.constant 0 : index
    %swap3A_111 = arith.constant 0 : index
    %swap3A_112 = vector.load %arg13[%swap3A_110, %swap3A_111] : memref<4096x128xi32, #tpu.memory_space<vmem>>, vector<4096x128xi32>
    tpu.vector_store %arg13[%swap3A_110, %swap3A_111], %bitcast_convert_type3A_109 {strides = array<i32>} : memref<4096x128xi32, #tpu.memory_space<vmem>>, vector<4096x128xi32>,
    return
  }
  func.func @transform_0(%arg0: i32) -> (i32, i32) {
    %c0_i32 = arith.constant 0 : i32
    %c0_i32_0 = arith.constant 0 : i32
    return %c0_i32, %arg0 : i32, i32
  }
  func.func @transform_1(%arg0: i32) -> (i32, i32) {
    %add3A = arith.constant 13 : i32
    %add3A_0 = arith.addi %arg0, %add3A : i32
    %min3A = arith.constant 24 : i32
    %min3A_1 = arith.minsi %add3A_0, %min3A : i32
    %c0_i32 = arith.constant 0 : i32
    %c0_i32_2 = arith.constant 0 : i32
    return %c0_i32, %min3A_1 : i32, i32
  }
  func.func @transform_2(%arg0: i32) -> (i32, i32) {
    %c0_i32 = arith.constant 0 : i32
    %c0_i32_0 = arith.constant 0 : i32
    return %c0_i32, %arg0 : i32, i32
  }
  func.func @transform_3(%arg0: i32) -> (i32, i32) {
    %add3A = arith.constant 13 : i32
    %add3A_0 = arith.addi %arg0, %add3A : i32
    %min3A = arith.constant 24 : i32
    %min3A_1 = arith.minsi %add3A_0, %min3A : i32
    %c0_i32 = arith.constant 0 : i32
    %c0_i32_2 = arith.constant 0 : i32
    return %c0_i32, %min3A_1 : i32, i32
  }
  func.func @transform_4(%arg0: i32) -> (i32, i32) {
    %c0_i32 = arith.constant 0 : i32
    %c0_i32_0 = arith.constant 0 : i32
    return %c0_i32, %arg0 : i32, i32
  }
  func.func @transform_5(%arg0: i32) -> (i32, i32) {
    %add3A = arith.constant 13 : i32
    %add3A_0 = arith.addi %arg0, %add3A : i32
    %min3A = arith.constant 24 : i32
    %min3A_1 = arith.minsi %add3A_0, %min3A : i32
    %c0_i32 = arith.constant 0 : i32
    %c0_i32_2 = arith.constant 0 : i32
    return %c0_i32, %min3A_1 : i32, i32
  }
  func.func @transform_6(%arg0: i32) -> (i32, i32) {
    %c0_i32 = arith.constant 0 : i32
    %c0_i32_0 = arith.constant 0 : i32
    return %c0_i32, %arg0 : i32, i32
  }
  func.func @transform_7(%arg0: i32) -> (i32, i32) {
    %add3A = arith.constant 13 : i32
    %add3A_0 = arith.addi %arg0, %add3A : i32
    %min3A = arith.constant 24 : i32
    %min3A_1 = arith.minsi %add3A_0, %min3A : i32
    %c0_i32 = arith.constant 0 : i32
    %c0_i32_2 = arith.constant 0 : i32
    return %c0_i32, %min3A_1 : i32, i32
  }
  func.func @transform_8(%arg0: i32) -> (i32, i32) {
    %c0_i32 = arith.constant 0 : i32
    %c0_i32_0 = arith.constant 0 : i32
    %c0_i32_1 = arith.constant 0 : i32
    return %c0_i32, %c0_i32_0 : i32, i32
  }
  func.func @transform_9(%arg0: i32) -> (i32, i32) {
    %c0_i32 = arith.constant 0 : i32
    %c0_i32_0 = arith.constant 0 : i32
    return %arg0, %c0_i32 : i32, i32
  }
  func.func @transform_10(%arg0: i32) -> (i32, i32) {
    %c0_i32 = arith.constant 0 : i32
    %c0_i32_0 = arith.constant 0 : i32
    return %arg0, %c0_i32 : i32, i32
  }
  func.func @transform_11(%arg0: i32) -> (i32, i32) {
    %c0_i32 = arith.constant 0 : i32
    %c0_i32_0 = arith.constant 0 : i32
    return %arg0, %c0_i32 : i32, i32
  }
  func.func @transform_12(%arg0: i32) -> (i32, i32) {
    %c0_i32 = arith.constant 0 : i32
    %c0_i32_0 = arith.constant 0 : i32
    return %arg0, %c0_i32 : i32, i32
  }
}

</mosaic_0001>

<sc_bundles>
// kernel: kernel.5.cloned.1.call-start
scs
__scs_entry_jumppad:
0x0: {  	(pc) =	sbr.rel $0x88, $3  }
0x1: {  	(tag) =	ssettag $0x0;
	lr =	simm.s32 $0x1  }
0x2: {  	[smem:$0x3F97] =	sst lr;
	_ =	strace $0xD0000000  }
0x3: {  	_ = 	snop  }
0x4: {  	_ = 	snop  }
0x5: {  	_ = 	snop  }
0x6: {  	_ = 	snop  }
0x7: {  	_ = 	snop  }
__scs_overlays_trampoline_lowered:
0x8: {  	[smem:$0x3FA6] =	sst s0  }
0x9: {  	[smem:$0x3FA7] =	sst s1  }
0xa: {  	[smem:$0x3FA8] =	sst s2  }
0xb: {  	[smem:$0x3FA9] =	sst s3  }
0xc: {  	[smem:$0x3FAA] =	sst s4  }
0xd: {  	[smem:$0x3FAB] =	sst s5  }
0xe: {  	[smem:$0x3FAC] =	sst s6  }
0xf: {  	[smem:$0x3FAD] =	sst s7  }
0x10: {  	[smem:$0x3FAE] =	sst s8  }
0x11: {  	[smem:$0x3FAF] =	sst s9;
	s0 =	simm.s32 @!p0 $0x0  }
0x12: {  	s1 =	sld [smem:$0x3F95];
	s0 =	simm.s32 @p0 $0x1  }
0x13: {  	[smem:$0x3FB0] =	sst s0;
	s0 =	simm.s32 @!p1 $0x0  }
0x14: {  	s2 =	sld [smem:$0x3F94];
	s0 =	simm.s32 @p1 $0x1  }
0x15: {  	[smem:$0x3FB1] =	sst s0;
	s0 =	simm.s32 @!p2 $0x0  }
0x16: {  	s3 =	sld [smem:$0x3FDB];
	s0 =	simm.s32 @p2 $0x1  }
0x17: {  	s4 =	simm.s32 $0x1BF5;
	[smem:$0x3FB3] =	sst s0  }
0x18: {  	s0 =	sld [smem:$0x3F96];
	_ =	swait.ge [sflag:s4], $0x0  }
0x19: {  	s7 =	sld [smem:$0x3F97]  }
0x1a: {  	s8 =	sadd.s32 $0xFFFFE003, lr  }
0x1b: {  	s9 =	sadd.s32 $0xFFFFFEF7, lr;
	s5 =	simm.s32 $0xFFFFFFFF;
	p2 =	slt.u32 s8, $0xFFFFF086  }
0x1c: {  	p1 =	slt.u32 s9, $0xF7A;
	s5 =	simm.s32 @!p2 $0x0  }
0x1d: {  	s5 =	simm.s32 @p1 $0x1;
	p0 =	seq.s32 s7, s2  }
0x1e: {  	s7 =	smul.u32 @!p0 $0xF7A, s2;
	p2 =	seq.s32 @!p0 s5, $0x0  }
0x1f: {  	s9 =	smul.u32 $0xF7A, s1;
	s8 =	simm.s32 @!p0 $0x1BF5;
	p2 =	por !p2, p0  }
0x20: {  	[sflag:s8] =	ssyncset.s32 @!p0 $0xFFFFF086;
	s6 =	sadd.s32 @!p0 s3, s7;
	s7 =	simm.s32 @!p0 $0x108  }
0x21: {  	s3 =	sadd.s32 s3, s9;
	s6 =	sadd.s32 @!p0 $0x88, s6;
	s7 =	simm.s32 @p2 $0x1082  }
0x22: {  	[simem:s7], [sflag:s8] =	dma.local @!p0 [hbm:s6], $0xF7A  }
0x23: {  	s9 =	sor.u32 $0xD0000000, s2;
	s6 =	simm.s32 $0x108;
	_ =	swait.ge @!p0 [sflag:s8], $0x0  }
0x24: {  	s3 =	sadd.s32 $0x88, s3;
	s6 =	simm.s32 @!p1 $0x1082;
	[sflag:s4] =	ssyncset.s32 $0xFFFFF086  }
0x25: {  	[simem:s6], [sflag:s4] =	dma.local [hbm:s3], $0xF7A  }
0x26: {  	[smem:$0x3F97] =	sst s1;
	(tag) =	ssettag s2;
	_ =	strace s9  }
0x27: {  	s1 =	sld [smem:$0x3FA7]  }
0x28: {  	s2 =	sld [smem:$0x3FA8]  }
0x29: {  	s4 =	sld [smem:$0x3FAA]  }
0x2a: {  	p0 =	seq.s32 s5, $0x0;
	s5 =	sld [smem:$0x3FAB]  }
0x2b: {  	s6 =	sld [smem:$0x3FAC]  }
0x2c: {  	s7 =	sld [smem:$0x3FAD]  }
0x2d: {  	s3 =	simm.s32 $0x108;
	s8 =	sld [smem:$0x3FAE]  }
0x2e: {  	s3 =	simm.s32 @!p0 $0x1082;
	s9 =	sld [smem:$0x3FAF]  }
0x2f: {  	lr =	sadd.s32 s0, s3;
	s0 =	sld [smem:$0x3FA6]  }
0x30: {  	s3 =	sld [smem:$0x3FA9]  }
0x31: {  	[smem:$0x3FB2] =	sst s10  }
0x32: {  	s10 =	sld [smem:$0x3FB0];
	_ =	sdelay $0x3  }
0x33: {  	p0 =	seq.s32 s10, $0x1;
	s10 =	sld [smem:$0x3FB2];
	_ =	sdelay $0x3  }
0x34: {  	[smem:$0x3FB2] =	sst s10  }
0x35: {  	s10 =	sld [smem:$0x3FB1];
	_ =	sdelay $0x3  }
0x36: {  	p1 =	seq.s32 s10, $0x1;
	s10 =	sld [smem:$0x3FB2];
	_ =	sdelay $0x3  }
0x37: {  	[smem:$0x3FB2] =	sst s10  }
0x38: {  	s10 =	sld [smem:$0x3FB3]  }
0x39: {  	_ = 	snop;
	(pc) =	sbr.ind lr, $3  }
0x3a: {  	_ = 	snop  }
0x3b: {  	_ = 	snop  }
0x3c: {  	p2 =	seq.s32 s10, $0x1;
	s10 =	sld [smem:$0x3FB2]  }
0x3d: {  	_ =	shalt  }
0x3e: {  	_ =	shalt  }
0x3f: {  	_ =	shalt  }
0x40: {  	_ =	shalt  }
0x41: {  	_ =	shalt  }
0x42: {  	_ =	shalt  }
0x43: {  	_ =	shalt  }
0x44: {  	_ =	shalt  }
0x45: {  	_ =	shalt  }
0x46: {  	_ =	shalt  }
0x47: {  	_ =	shalt  }
0x48: {  	_ =	shalt  }
0x49: {  	_ =	shalt  }
0x4a: {  	_ =	shalt  }
0x4b: {  	_ =	shalt  }
0x4c: {  	_ =	shalt  }
0x4d: {  	_ =	shalt  }
0x4e: {  	_ =	shalt  }
0x4f: {  	_ =	shalt  }
0x50: {  	_ =	shalt  }
0x51: {  	_ =	shalt  }
0x52: {  	_ =	shalt  }
0x53: {  	_ =	shalt  }
0x54: {  	_ =	shalt  }
0x55: {  	_ =	shalt  }
0x56: {  	_ =	shalt  }
0x57: {  	_ =	shalt  }
0x58: {  	_ =	shalt  }
0x59: {  	_ =	shalt  }
0x5a: {  	_ =	shalt  }
0x5b: {  	_ =	shalt  }
0x5c: {  	_ =	shalt  }
0x5d: {  	_ =	shalt  }
0x5e: {  	_ =	shalt  }
0x5f: {  	_ =	shalt  }
0x60: {  	_ =	shalt  }
0x61: {  	_ =	shalt  }
0x62: {  	_ =	shalt  }
0x63: {  	_ =	shalt  }
0x64: {  	_ =	shalt  }
0x65: {  	_ =	shalt  }
0x66: {  	_ =	shalt  }
0x67: {  	_ =	shalt  }
0x68: {  	_ =	shalt  }
0x69: {  	_ =	shalt  }
0x6a: {  	_ =	shalt  }
0x6b: {  	_ =	shalt  }
0x6c: {  	_ =	shalt  }
0x6d: {  	_ =	shalt  }
0x6e: {  	_ =	shalt  }
0x6f: {  	_ =	shalt  }
0x70: {  	_ =	shalt  }
0x71: {  	_ =	shalt  }
0x72: {  	_ =	shalt  }
0x73: {  	_ =	shalt  }
0x74: {  	_ =	shalt  }
0x75: {  	_ =	shalt  }
0x76: {  	_ =	shalt  }
0x77: {  	_ =	shalt  }
0x78: {  	_ =	shalt  }
0x79: {  	_ =	shalt  }
0x7a: {  	_ =	shalt  }
0x7b: {  	_ =	shalt  }
0x7c: {  	_ =	shalt  }
0x7d: {  	_ =	shalt  }
0x7e: {  	_ =	shalt  }
0x7f: {  	_ =	shalt  }
0x80: {  	_ =	shalt  }
0x81: {  	_ =	shalt  }
0x82: {  	_ =	shalt  }
0x83: {  	_ =	shalt  }
0x84: {  	_ =	shalt  }
0x85: {  	_ =	shalt  }
0x86: {  	_ =	shalt  }
0x87: {  	_ =	shalt  }
.Lfunc_end0:
.L_simem_size_0:
called_computation_lowered:
.L_overlay_start_0:
0x88: {  	s2 =	sld [smem:$0x3FD9]  }
0x89: {  	s3 =	sld [smem:$0x3FFE];
	_ =	sdelay $0x1  }
0x8a: {  	s1 =	srdreg.scid  }
0x8b: {  	s0 =	sand.u32 $0x1, s1  }
0x8c: {  	s17 =	sshll.u32 s0, $0xA;
	s2 =	sadd.s32 s3, s2  }
0x8d: {  	s2 =	sadd.s32 s2, s17  }
0x8e: {  	[smem:$0x3FBE] =	sst s2  }
0x8f: {  	_ = 	snop  }
0x90: {  	s2 =	sld [smem:$0x3FC9]  }
0x91: {  	s18 =	sld [smem:$0x3FC8]  }
0x92: {  	s4 =	sld [smem:$0x3FC7]  }
0x93: {  	s5 =	sld [smem:$0x3FC6]  }
0x94: {  	s6 =	sld [smem:$0x3FD0];
	(tm) =	ssettm $0x1  }
0x95: {  	s7 =	sld [smem:$0x3FFB];
	_ =	sdelay $0x3  }
0x96: {  	_ =	strace s7  }
0x97: {  	s7 =	sld [smem:$0x3FFC];
	_ =	sdelay $0x3  }
0x98: {  	_ =	strace s7  }
0x99: {  	s7 =	sld [smem:$0x3FFD];
	_ =	sdelay $0x3  }
0x9a: {  	_ =	strace s7  }
0x9b: {  	_ =	strace $0x8FFFFFFF  }
0x9c: {  	s19 =	sld [smem:$0x3FDB];
	_ =	sdelay $0x1  }
0x9d: {  	s8 =	simm.s32 $_scs_section_size  }
0x9e: {  	s9 =	simm.s32 $_size__tile_overlayer_lowered;
	s10 =	simm.s32 $_tile_overlayer_lowered  }
0x9f: {  	s22 =	simm.s32 $0x1BFF;
	s21 =	sshll.u32 s10, $0x1;
	s7 =	sadd.s32 s8, s19  }
0xa0: {  	s11 =	simm.s32 $0x0;
	s20 =	sshll.u32 s9, $0x1;
	s9 =	sadd.s32 s21, s7  }
0xa1: {  	[timem:s11], [sflag:s22] =	dma.local [hbm:s9], s20  }
0xa2: {  	_ =	swait.ge [sflag:s22], s20  }
0xa3: {  	s8 =	ssub.s32 $0x0, s20;
	[sflag:s22] =	ssyncset.done $0x0  }
0xa4: {  	[sflag:s22] =	ssyncadd.s32 s8;
	_ =	sdelay $0x1  }
0xa5: {  	s23 =	simm.s32 $0x1B8B  }
0xa6: {  	_ =	swait.ge [sflag:s23], $0x1  }
0xa7: {  	[sflag:s23] =	ssyncset.done $0x0  }
0xa8: {  	s25 =	simm.s32 $0x1B8E;
	s24 =	sld [smem:$0x3FFE];
	[sflag:s23] =	ssyncadd.s32 $0xFFFFFFFF  }
0xa9: {  	s26 =	simm.s32 $execute0_lowered;
	[smem:$0x3FD2] =	sst s25  }
0xaa: {  	s9 =	sshll.u32 s26, $0x1;
	_ =	strace $0x80000046;
	[dreg:$0x1] =	wrdreg $0xFFFFFFFF  }
0xab: {  	s28 =	simm.s32 $_size_execute0_lowered;
	s7 =	sadd.s32 s7, s9;
	[dreg:$0x0] =	wrdreg $0x0  }
0xac: {  	s9 =	sshll.u32 s28, $0x1;
	[dreg:$0x2] =	wrdreg s7  }
0xad: {  	[dreg:$0x3] =	wrdreg s9  }
0xae: {  	[dreg:$0x4] =	wrdreg $0xC0  }
0xaf: {  	_ =	task [dreg:s11], $0x5FFFF  }
0xb0: {  	[dreg:$0x1] =	wrdreg $0xFFFFFFFF  }
0xb1: {  	[dreg:$0x0] =	wrdreg $0x60  }
0xb2: {  	[dreg:$0x2] =	wrdreg s2  }
0xb3: {  	[dreg:$0x3] =	wrdreg s18  }
0xb4: {  	[dreg:$0x4] =	wrdreg s4  }
0xb5: {  	[dreg:$0x5] =	wrdreg s5  }
0xb6: {  	[dreg:$0x6] =	wrdreg s24  }
0xb7: {  	[dreg:$0x7] =	wrdreg s6  }
0xb8: {  	[dreg:$0x8] =	wrdreg $0x9  }
0xb9: {  	_ =	task.clear_ibuf [dreg:s11], $0x9FFFF;
	_ =	strace $0x90000046  }
0xba: {  	s29 =	simm.s32 $0x9;
	_ =	strace $0x80000048  }
0xbb: {  	_ =	swait.ge [sflag:s29], $0x1  }
0xbc: {  	[sflag:s29] =	ssyncadd.s32 $0xFFFFFFFF  }
0xbd: {  	_ =	strace $0x90000048  }
0xbe: {  	_ =	sfence  }
0xbf: {  	s30 =	sld [smem:$0x0];
	_ =	sdelay $0x2  }
0xc0: {  	s31 =	sshll.u32 s1, $0xD;
	s1 =	sshrl.u32 s1, $0x2  }
0xc1: {  	s3 =	sand.u32 $0x4000, s31;
	s1 =	sadd.s32 s1, s30  }
0xc2: {  	s0 =	sor.u32 s3, s0;
	s1 =	sshll.u32 s1, $0x11  }
0xc3: {  	s0 =	sor.u32 s1, s0  }
0xc4: {  	s0 =	sadd.s32 $0x8F2B, s0  }
0xc5: {  	[sflag:s0] =	ssyncadd.remote.s32 $0x1  }
0xc6: {  	_ =	sfence.sel $0xFFFF  }
0xc7: {  	[dreg:$0x0] =	wrdreg $0xFFFFFFFF;
	(pc) =	sbr.abs _section_cstart, $3  }
0xc8: {  	[dreg:$0x1] =	wrdreg $0xFFFFFFFF  }
0xc9: {  	_ =	task.clear_ibuf [dreg:s11], $0x2FFFF;
	_ =	strace $0x9FFFFFFF  }
0xca: {  	(tm) =	ssettm $0x7FFFFFFF  }
0xcb: {  	_ =	shalt  }
tec
execute0_lowered:
.L_overlay_start_1:
0x0: {  	(tag) =	ssettag $0x1  }
0x1: {  	s7 =	rddreg [dreg:$0x0]  }
0x2: {  	s8 =	rddreg [dreg:$0x1]  }
0x3: {  	s9 =	rddreg [dreg:$0x2]  }
0x4: {  	s10 =	rddreg [dreg:$0x3]  }
0x5: {  	s11 =	rddreg [dreg:$0x4]  }
0x6: {  	s12 =	rddreg [dreg:$0x5]  }
0x7: {  	s0 =	rddreg [dreg:$0x6];
	s1 =	simm.s32 $0x0;
	s5 =	srdreg.scid  }
0x8: {  	s2 =	stileid.u32;
	s18 =	simm.s32 $0x280;
	s19 =	simm.s32 $0x100  }
0x9: {  	s20 =	simm.s32 $0x4280;
	s21 =	simm.s32 $0x180;
	s22 =	simm.s32 $0x8280  }
0xa: {  	s23 =	simm.s32 $0x200;
	s24 =	simm.s32 $0xC280;
	s25 =	simm.s32 $0x1  }
0xb: {  	[smem:$0x7FF] =	sst s1;
	s3 =	sadd.s32 $0x1E00, s11;
	s4 =	sadd.s32 $0xD1E00, s11  }
0xc: {  	s13 =	sand.u32 $0x1, s5;
	s5 =	sadd.s32 $0x1A1E00, s11;
	s14 =	sshll.u32 s2, $0x8  }
0xd: {  	s6 =	sadd.s32 $0x271E00, s11;
	s15 =	sshll.u32 s13, $0x7;
	s13 =	ssub.s32 $0x2, s13  }
0xe: {  	_ =	strace $0x80000047;
	s14 =	sor.u32 s15, s14;
	s16 =	sshrl.u32 s13, $0x1  }
0xf: {  	s15 =	sshll.u32 s14, $0x4;
	s14 =	sshrl.u32 s14, $0x3;
	s16 =	ssub.s32 s13, s16  }
0x10: {  	s17 =	sadd.s32 s15, s11;
	s7 =	sadd.s32 s7, s14;
	s8 =	sadd.s32 s8, s14  }
0x11: {  	s9 =	sadd.s32 s9, s14;
	s10 =	sadd.s32 s10, s14;
	s11 =	sadd.s32 s12, s15  }
0x12: {  	s15 =	smax.u32 s16, $0x1;
	s16 =	simm.s32 $0x2;
	s12 =	sadd.s32 $0x341E00, s17  }
0x13: {  	s13 =	sadd.s32 $0x351E00, s17;
	s14 =	sadd.s32 $0x361E00, s17;
	s17 =	simm.s32 $0x80  }
.LBB2_1:
0x14: {  	[tilespmem:s1], [sflag:$0x2] =	stream.linear.gather [hbm4b:s7+s1], $0x80, $0x38;
	[tilespmem:$0x10280] =	vst v63  }
0x15: {  	_ =	swait.ge [sflag:s16], $0x80  }
0x16: {  	[sflag:s16] =	ssyncset.done $0x0  }
0x17: {  	[sflag:s16] =	ssyncadd.s32 $0xFFFFFF80  }
0x18: {  	v0 =	vld [tilespmem:$0x0]  }
0x19: {  	v1 =	vld [tilespmem:$0x10]  }
0x1a: {  	v2 =	vld [tilespmem:$0x20]  }
0x1b: {  	v3 =	vld [tilespmem:$0x30]  }
0x1c: {  	v4 =	vld [tilespmem:$0x40]  }
0x1d: {  	v6 =	vld [tilespmem:$0x50];
	vm0 =	vgt.s32 v0, $0xCFFF;
	v5 =	vadd.s32 $0xFFFF3000, v0  }
0x1e: {  	v7 =	vld [tilespmem:$0x60];
	vm9 =	vgt.s32 v1, $0xCFFF;
	v36 =	vadd.s32 $0xFFFF3000, v1;
	v0 =	vsel vm0, v5, v0  }
0x1f: {  	v39 =	vld [tilespmem:$0x70];
	vm10 =	vgt.s32 v2, $0xCFFF;
	v38 =	vadd.s32 $0xFFFF3000, v2;
	v37 =	vsel vm9, v36, v1;
	[tilespmem:$0x80] =	vst v0  }
0x20: {  	vm11 =	vgt.s32 v3, $0xCFFF;
	v41 =	vadd.s32 $0xFFFF3000, v3;
	v40 =	vsel vm10, v38, v2;
	[tilespmem:$0x90] =	vst v37  }
0x21: {  	vm12 =	vgt.s32 v4, $0xCFFF;
	v43 =	vadd.s32 $0xFFFF3000, v4;
	v42 =	vsel vm11, v41, v3;
	[tilespmem:$0xA0] =	vst v40  }
0x22: {  	vm13 =	vgt.s32 v6, $0xCFFF;
	v45 =	vadd.s32 $0xFFFF3000, v6;
	v44 =	vsel vm12, v43, v4;
	[tilespmem:$0xB0] =	vst v42  }
0x23: {  	vm14 =	vgt.s32 v7, $0xCFFF;
	v47 =	vadd.s32 $0xFFFF3000, v7;
	v46 =	vsel vm13, v45, v6;
	[tilespmem:$0xC0] =	vst v44  }
0x24: {  	vm15 =	vgt.s32 v39, $0xCFFF;
	v49 =	vadd.s32 $0xFFFF3000, v39;
	v48 =	vsel vm14, v47, v7;
	[tilespmem:$0xD0] =	vst v46  }
0x25: {  	v50 =	vsel vm15, v49, v39;
	[tilespmem:$0xE0] =	vst v48  }
0x26: {  	[tilespmem:$0xF0] =	vst v50  }
0x27: {  	[tilespmem:s18], [sflag:$0x1] =	stream.indirect.gather [hbm4b:s3+s17], $0x80, s17, s17, $0xb8;
	[tilespmem:$0x10280] =	vst v63  }
0x28: {  	_ = 	snop  }
0x29: {  	[tilespmem:s1], [sflag:$0x2] =	stream.linear.gather [hbm4b:s8+s1], $0x80, $0x38;
	[tilespmem:$0x10280] =	vst v63  }
0x2a: {  	_ =	swait.ge [sflag:s16], $0x80  }
0x2b: {  	[sflag:s16] =	ssyncset.done $0x0  }
0x2c: {  	[sflag:s16] =	ssyncadd.s32 $0xFFFFFF80  }
0x2d: {  	v51 =	vld [tilespmem:$0x0]  }
0x2e: {  	v52 =	vld [tilespmem:$0x10]  }
0x2f: {  	v53 =	vld [tilespmem:$0x20]  }
0x30: {  	v54 =	vld [tilespmem:$0x30]  }
0x31: {  	v55 =	vld [tilespmem:$0x40]  }
0x32: {  	v57 =	vld [tilespmem:$0x50];
	vm4 =	vgt.s32 v51, $0xCFFF;
	v56 =	vadd.s32 $0xFFFF3000, v51  }
0x33: {  	v59 =	vld [tilespmem:$0x60];
	vm5 =	vgt.s32 v52, $0xCFFF;
	v58 =	vadd.s32 $0xFFFF3000, v52;
	v0 =	vsel vm4, v56, v51  }
0x34: {  	v62 =	vld [tilespmem:$0x70];
	vm6 =	vgt.s32 v53, $0xCFFF;
	v61 =	vadd.s32 $0xFFFF3000, v53;
	v60 =	vsel vm5, v58, v52;
	[tilespmem:$0x100] =	vst v0  }
0x35: {  	vm7 =	vgt.s32 v54, $0xCFFF;
	v8 =	vadd.s32 $0xFFFF3000, v54;
	v63 =	vsel vm6, v61, v53;
	[tilespmem:$0x110] =	vst v60  }
0x36: {  	vm8 =	vgt.s32 v55, $0xCFFF;
	v10 =	vadd.s32 $0xFFFF3000, v55;
	v9 =	vsel vm7, v8, v54;
	[tilespmem:$0x120] =	vst v63  }
0x37: {  	vm9 =	vgt.s32 v57, $0xCFFF;
	v12 =	vadd.s32 $0xFFFF3000, v57;
	v11 =	vsel vm8, v10, v55;
	[tilespmem:$0x130] =	vst v9  }
0x38: {  	vm10 =	vgt.s32 v59, $0xCFFF;
	v14 =	vadd.s32 $0xFFFF3000, v59;
	v13 =	vsel vm9, v12, v57;
	[tilespmem:$0x140] =	vst v11  }
0x39: {  	vm11 =	vgt.s32 v62, $0xCFFF;
	v16 =	vadd.s32 $0xFFFF3000, v62;
	v15 =	vsel vm10, v14, v59;
	[tilespmem:$0x150] =	vst v13  }
0x3a: {  	v17 =	vsel vm11, v16, v62;
	[tilespmem:$0x160] =	vst v15  }
0x3b: {  	[tilespmem:$0x170] =	vst v17  }
0x3c: {  	[tilespmem:s20], [sflag:$0x1] =	stream.indirect.gather [hbm4b:s4+s17], $0x80, s19, s17, $0xb8;
	[tilespmem:$0x10280] =	vst v63  }
0x3d: {  	_ = 	snop  }
0x3e: {  	[tilespmem:s1], [sflag:$0x2] =	stream.linear.gather [hbm4b:s9+s1], $0x80, $0x38;
	[tilespmem:$0x10280] =	vst v63  }
0x3f: {  	_ =	swait.ge [sflag:s16], $0x80  }
0x40: {  	[sflag:s16] =	ssyncset.done $0x0  }
0x41: {  	[sflag:s16] =	ssyncadd.s32 $0xFFFFFF80  }
0x42: {  	v18 =	vld [tilespmem:$0x0]  }
0x43: {  	v19 =	vld [tilespmem:$0x10]  }
0x44: {  	v20 =	vld [tilespmem:$0x20]  }
0x45: {  	v21 =	vld [tilespmem:$0x30]  }
0x46: {  	v22 =	vld [tilespmem:$0x40]  }
0x47: {  	v24 =	vld [tilespmem:$0x50];
	vm12 =	vgt.s32 v18, $0xCFFF;
	v23 =	vadd.s32 $0xFFFF3000, v18  }
0x48: {  	v26 =	vld [tilespmem:$0x60];
	vm13 =	vgt.s32 v19, $0xCFFF;
	v25 =	vadd.s32 $0xFFFF3000, v19;
	v0 =	vsel vm12, v23, v18  }
0x49: {  	v29 =	vld [tilespmem:$0x70];
	vm14 =	vgt.s32 v20, $0xCFFF;
	v28 =	vadd.s32 $0xFFFF3000, v20;
	v27 =	vsel vm13, v25, v19;
	[tilespmem:$0x180] =	vst v0  }
0x4a: {  	vm15 =	vgt.s32 v21, $0xCFFF;
	v31 =	vadd.s32 $0xFFFF3000, v21;
	v30 =	vsel vm14, v28, v20;
	[tilespmem:$0x190] =	vst v27  }
0x4b: {  	vm4 =	vgt.s32 v22, $0xCFFF;
	v33 =	vadd.s32 $0xFFFF3000, v22;
	v32 =	vsel vm15, v31, v21;
	[tilespmem:$0x1A0] =	vst v30  }
0x4c: {  	vm5 =	vgt.s32 v24, $0xCFFF;
	v35 =	vadd.s32 $0xFFFF3000, v24;
	v34 =	vsel vm4, v33, v22;
	[tilespmem:$0x1B0] =	vst v32  }
0x4d: {  	vm6 =	vgt.s32 v26, $0xCFFF;
	v37 =	vadd.s32 $0xFFFF3000, v26;
	v36 =	vsel vm5, v35, v24;
	[tilespmem:$0x1C0] =	vst v34  }
0x4e: {  	vm7 =	vgt.s32 v29, $0xCFFF;
	v39 =	vadd.s32 $0xFFFF3000, v29;
	v38 =	vsel vm6, v37, v26;
	[tilespmem:$0x1D0] =	vst v36  }
0x4f: {  	v40 =	vsel vm7, v39, v29;
	[tilespmem:$0x1E0] =	vst v38  }
0x50: {  	[tilespmem:$0x1F0] =	vst v40  }
0x51: {  	[tilespmem:s22], [sflag:$0x1] =	stream.indirect.gather [hbm4b:s5+s17], $0x80, s21, s17, $0xb8;
	[tilespmem:$0x10280] =	vst v63  }
0x52: {  	_ = 	snop  }
0x53: {  	[tilespmem:s1], [sflag:$0x2] =	stream.linear.gather [hbm4b:s10+s1], $0x80, $0x38;
	[tilespmem:$0x10280] =	vst v63  }
0x54: {  	_ =	swait.ge [sflag:s16], $0x80  }
0x55: {  	[sflag:s16] =	ssyncset.done $0x0  }
0x56: {  	[sflag:s16] =	ssyncadd.s32 $0xFFFFFF80  }
0x57: {  	v41 =	vld [tilespmem:$0x0]  }
0x58: {  	v42 =	vld [tilespmem:$0x10]  }
0x59: {  	v43 =	vld [tilespmem:$0x20]  }
0x5a: {  	v44 =	vld [tilespmem:$0x30]  }
0x5b: {  	v45 =	vld [tilespmem:$0x40]  }
0x5c: {  	v47 =	vld [tilespmem:$0x50];
	vm8 =	vgt.s32 v41, $0xCFFF;
	v46 =	vadd.s32 $0xFFFF3000, v41  }
0x5d: {  	v49 =	vld [tilespmem:$0x60];
	vm9 =	vgt.s32 v42, $0xCFFF;
	v48 =	vadd.s32 $0xFFFF3000, v42;
	v0 =	vsel vm8, v46, v41  }
0x5e: {  	v52 =	vld [tilespmem:$0x70];
	vm10 =	vgt.s32 v43, $0xCFFF;
	v51 =	vadd.s32 $0xFFFF3000, v43;
	v50 =	vsel vm9, v48, v42;
	[tilespmem:$0x200] =	vst v0  }
0x5f: {  	vm11 =	vgt.s32 v44, $0xCFFF;
	v54 =	vadd.s32 $0xFFFF3000, v44;
	v53 =	vsel vm10, v51, v43;
	[tilespmem:$0x210] =	vst v50  }
0x60: {  	vm12 =	vgt.s32 v45, $0xCFFF;
	v56 =	vadd.s32 $0xFFFF3000, v45;
	v55 =	vsel vm11, v54, v44;
	[tilespmem:$0x220] =	vst v53  }
0x61: {  	vm13 =	vgt.s32 v47, $0xCFFF;
	v58 =	vadd.s32 $0xFFFF3000, v47;
	v57 =	vsel vm12, v56, v45;
	[tilespmem:$0x230] =	vst v55  }
0x62: {  	vm14 =	vgt.s32 v49, $0xCFFF;
	v60 =	vadd.s32 $0xFFFF3000, v49;
	v59 =	vsel vm13, v58, v47;
	[tilespmem:$0x240] =	vst v57  }
0x63: {  	vm15 =	vgt.s32 v52, $0xCFFF;
	v62 =	vadd.s32 $0xFFFF3000, v52;
	v61 =	vsel vm14, v60, v49;
	[tilespmem:$0x250] =	vst v59  }
0x64: {  	v63 =	vsel vm15, v62, v52;
	[tilespmem:$0x260] =	vst v61  }
0x65: {  	[tilespmem:$0x270] =	vst v63  }
0x66: {  	[tilespmem:s24], [sflag:$0x1] =	stream.indirect.gather [hbm4b:s6+s17], $0x80, s23, s17, $0xb8;
	[tilespmem:$0x10280] =	vst v63  }
0x67: {  	_ =	swait.ge [sflag:s25], $0x4000  }
0x68: {  	[sflag:s25] =	ssyncset.done $0x0  }
0x69: {  	[sflag:s25] =	ssyncadd.s32 $0xFFFFC000  }
0x6a: {  	[hbm4b:s11+s1] =	stream.linear.scatter [tilespmem:s18], [sflag:$0x2], $0x4000, $0x38;
	[tilespmem:$0x10280] =	vst v63  }
0x6b: {  	_ =	swait.ge [sflag:s16], $0x4000  }
0x6c: {  	[sflag:s16] =	ssyncset.done $0x0  }
0x6d: {  	[sflag:s16] =	ssyncadd.s32 $0xFFFFC000  }
0x6e: {  	_ =	swait.ge [sflag:s25], $0x4000  }
0x6f: {  	[sflag:s25] =	ssyncset.done $0x0  }
0x70: {  	[sflag:s25] =	ssyncadd.s32 $0xFFFFC000  }
0x71: {  	[hbm4b:s12+s1] =	stream.linear.scatter [tilespmem:s20], [sflag:$0x2], $0x4000, $0x38;
	[tilespmem:$0x10280] =	vst v63  }
0x72: {  	_ =	swait.ge [sflag:s16], $0x4000  }
0x73: {  	[sflag:s16] =	ssyncset.done $0x0  }
0x74: {  	[sflag:s16] =	ssyncadd.s32 $0xFFFFC000  }
0x75: {  	_ =	swait.ge [sflag:s25], $0x4000  }
0x76: {  	[sflag:s25] =	ssyncset.done $0x0  }
0x77: {  	[sflag:s25] =	ssyncadd.s32 $0xFFFFC000  }
0x78: {  	[hbm4b:s13+s1] =	stream.linear.scatter [tilespmem:s22], [sflag:$0x2], $0x4000, $0x38;
	[tilespmem:$0x10280] =	vst v63  }
0x79: {  	_ =	swait.ge [sflag:s16], $0x4000  }
0x7a: {  	[sflag:s16] =	ssyncset.done $0x0  }
0x7b: {  	[sflag:s16] =	ssyncadd.s32 $0xFFFFC000  }
0x7c: {  	_ =	swait.ge [sflag:s25], $0x4000  }
0x7d: {  	p0 =	sne.s32 s15, $0x1;
	[sflag:s25] =	ssyncset.done $0x0  }
.Ltmp0:
0x7e: {  	[sflag:s25] =	ssyncadd.s32 $0xFFFFC000;
	(pc) =	sbr.rel @p0 .LBB2_1-.Ltmp0, $4  }
0x7f: {  	[hbm4b:s14+s1] =	stream.linear.scatter [tilespmem:s24], [sflag:$0x2], $0x4000, $0x38;
	[tilespmem:$0x10280] =	vst v63  }
0x80: {  	_ =	swait.ge [sflag:s16], $0x4000  }
0x81: {  	[sflag:s16] =	ssyncset.done $0x0  }
0x82: {  	s15 =	sadd.s32 $0xFFFFFFFF, s15;
	[sflag:s16] =	ssyncadd.s32 $0xFFFFC000  }
0x83: {  	_ =	sfence.sel $0x180000  }
0x84: {  	[bflag:$0x0] =	sbarrier.arrive $0xFFFF  }
0x85: {  	p0 =	sne.s32 s2, $0x0;
	_ =	strace $0x90000047  }
0x86: {  	s0 =	sadd.s32 @!p0 $0x100000, s0;
	[bflag:$0x2] =	sbarrier.arrive $0xFFFF  }
0x87: {  	[sflag:s0] =	ssyncadd.tile.s32 @!p0 $0x1;
	_ =	shalt  }
.Lfunc_end2:
_tile_overlayer_lowered:
.L_overlay_start_2:
0x88: {  	(tag) =	ssettag $0x2  }
0x89: {  	s0 =	rddreg [dreg:$0x0];
	s2 =	stileid.u32  }
0x8a: {  	s1 =	rddreg [dreg:$0x1];
	p0 =	sne.s32 s2, $0x0  }
0x8b: {  	s3 =	rddreg [dreg:$0x2];
	[bflag:$0x3] =	sbarrier.arrive $0xFFFF;
	s2 =	simm.s32 @!p0 $0x1C02  }
0x8c: {  	[timem:s3], [sflag:s2] =	dma.local @!p0 [hbm:s0], s1  }
0x8d: {  	s0 =	simm.s32 @!p0 $0x2  }
0x8e: {  	_ =	swait.ge @!p0 [sflag:s0], s1  }
0x8f: {  	s1 =	ssub.s32 @!p0 $0x0, s1;
	[sflag:s0] =	ssyncset.done @!p0 $0x0  }
0x90: {  	[sflag:s0] =	ssyncadd.s32 @!p0 s1  }
0x91: {  	[bflag:$0x3] =	sbarrier.arrive $0xFFFF  }
0x92: {  	_ =	shalt  }

</sc_bundles>
